<compile_context>
chip_gen: v7x
topology: tpu7x:2x2x1
jax: 0.10.2.dev20260603
libtpu: 0.0.44.dev20260713+nightly
codegen_flags: <defaults>
</compile_context>

<pallas_src>
import functools
import numpy as np
import jax
import jax.numpy as jnp
from jax import lax
from jax.experimental import pallas as pl
from jax.experimental.pallas import tpu as pltpu
from jax.experimental.pallas import tpu_sc as plsc

N = 10000
E = 320000
D = 128
B = 16
NPG = N // B
K = 313
OUT_DIM = 256
NC = 2
NS = 16
NW = NC * NS
EPW = E // NW

_HIGH = lax.Precision.HIGHEST


GRID1 = 10
XB = 1024
SPAD = GRID1 * XB


def _prep_body(x_ref, wrel_ref, wroot_ref, br_ref, s_ref, r_ref):
    w2 = jnp.concatenate([wrel_ref[...], wroot_ref[...]], axis=0)
    sr = lax.dot_general(w2, x_ref[...],
                         (((1,), (1,)), ((), ())), precision=_HIGH)
    s_ref[...] = sr[0]
    r_ref[...] = sr[1] + br_ref[0]


def _prep(x, w_rel, w_root, b_rel):
    return pl.pallas_call(
        _prep_body,
        grid=(GRID1,),
        in_specs=[
            pl.BlockSpec((XB, D), lambda i: (i, 0)),
            pl.BlockSpec((1, D), lambda i: (0, 0)),
            pl.BlockSpec((1, D), lambda i: (0, 0)),
            pl.BlockSpec(memory_space=pltpu.SMEM),
        ],
        out_specs=[
            pl.BlockSpec((XB,), lambda i: (i,)),
            pl.BlockSpec((XB,), lambda i: (i,)),
        ],
        out_shape=[
            jax.ShapeDtypeStruct((SPAD,), jnp.float32),
            jax.ShapeDtypeStruct((SPAD,), jnp.float32),
        ],
    )(x, w_rel, w_root, b_rel)


_sc_mesh = plsc.VectorSubcoreMesh(core_axis_name="c", subcore_axis_name="s")


TILE = 128
NT = E // TILE
NT_MAIN = NT // NW
EXTRA = NT - NW * NT_MAIN
EMAIN = NT_MAIN * TILE
ECHUNK = EMAIN + TILE


@functools.partial(
    pl.kernel,
    out_type=jax.ShapeDtypeStruct((NW, N), jnp.float32),
    mesh=_sc_mesh,
    scratch_types=[
        pltpu.VMEM((SPAD,), jnp.float32),
        pltpu.VMEM((2, ECHUNK), jnp.int32),
        pltpu.VMEM((N,), jnp.float32),
    ],
    compiler_params=pltpu.CompilerParams(needs_layout_passes=False),
)
def _seg_sum(s_hbm, r_hbm, ei_hbm, out_hbm, s_v, ei_v, acc_v):
    wid = lax.axis_index("s") * NC + lax.axis_index("c")
    pltpu.sync_copy(s_hbm, s_v)
    pltpu.sync_copy(ei_hbm.at[:, pl.ds(wid * EMAIN, EMAIN)],
                    ei_v.at[:, pl.ds(0, EMAIN)])

    @pl.when(wid == 0)
    def _():
        pltpu.sync_copy(r_hbm.at[pl.ds(0, N)], acc_v)

    @pl.when(wid != 0)
    def _():
        zeros16 = jnp.zeros((16,), jnp.float32)

        @plsc.parallel_loop(0, N // 16, unroll=16)
        def _zero(i):
            acc_v[pl.ds(i * 16, 16)] = zeros16

    @pl.when(wid < EXTRA)
    def _():
        pltpu.sync_copy(ei_hbm.at[:, pl.ds((NW * NT_MAIN + wid) * TILE, TILE)],
                        ei_v.at[:, pl.ds(EMAIN, TILE)])

    @plsc.parallel_loop(0, EMAIN // 16, unroll=16)
    def _edges(i):
        si = ei_v[0, pl.ds(i * 16, 16)]
        di = ei_v[1, pl.ds(i * 16, 16)]
        vals = plsc.load_gather(s_v, [si])
        plsc.addupdate_scatter(acc_v, [di], vals)

    @pl.when(wid < EXTRA)
    def _():
        @plsc.parallel_loop(EMAIN // 16, ECHUNK // 16, unroll=16)
        def _edges_extra(i):
            si = ei_v[0, pl.ds(i * 16, 16)]
            di = ei_v[1, pl.ds(i * 16, 16)]
            vals = plsc.load_gather(s_v, [si])
            plsc.addupdate_scatter(acc_v, [di], vals)

    pltpu.sync_copy(acc_v, out_hbm.at[wid])


def _pool_body(x_ref, p_ref, pw_ref, pb_ref, o_ref, xv_ref, sem):
    xcopy = pltpu.make_async_copy(x_ref, xv_ref, sem)
    xcopy.start()
    aggr = jnp.sum(p_ref[...], axis=0)
    z = jnp.stack([lax.slice(aggr, (b * NPG,), ((b + 1) * NPG,))
                   for b in range(B)], axis=0)
    score = jnp.tanh(z)

    bits = lax.bitcast_convert_type(score, jnp.int32)
    key = jnp.where(bits >= 0, bits, bits ^ jnp.int32(0x7FFFFFFF))
    int_min = jnp.int32(-(2 ** 31))

    tu = jnp.zeros((B, 1), jnp.int32)
    for bit in range(31, -1, -1):
        v = 1 << bit
        if v >= 2 ** 31:
            v -= 2 ** 32
        cand_u = tu | jnp.int32(v)
        cand_s = cand_u ^ int_min
        cnt = jnp.sum((key >= cand_s).astype(jnp.int32), axis=1, keepdims=True)
        tu = jnp.where(cnt >= K, cand_u, tu)
    ts = tu ^ int_min

    gt = key > ts
    eq = key == ts
    cnt_gt = jnp.sum(gt.astype(jnp.int32), axis=1, keepdims=True)
    ii = lax.broadcasted_iota(jnp.int32, (NPG, NPG), 0)
    jj = lax.broadcasted_iota(jnp.int32, (NPG, NPG), 1)
    tri = (ii <= jj).astype(jnp.float32)
    eq_rank = lax.dot_general(
        eq.astype(jnp.float32), tri,
        (((1,), (0,)), ((), ())), precision=_HIGH)
    need = (K - cnt_gt).astype(jnp.float32)
    mask = gt | (eq & (eq_rank <= need))

    w = jnp.where(mask, score, jnp.float32(0.0))
    xcopy.wait()
    pooled = lax.dot_general(
        w, xv_ref[...], (((1,), (1,)), ((0,), (0,))), precision=_HIGH)
    pooled = pooled * jnp.float32(1.0 / K)
    out = lax.dot_general(
        pooled, pw_ref[...], (((1,), (1,)), ((), ())), precision=_HIGH)
    o_ref[...] = out + pb_ref[...].reshape(1, OUT_DIM)


def _pool_project(x3, p3, proj_w, proj_b):
    return pl.pallas_call(
        _pool_body,
        out_shape=jax.ShapeDtypeStruct((B, OUT_DIM), jnp.float32),
        in_specs=[
            pl.BlockSpec(memory_space=pl.ANY),
            pl.BlockSpec(memory_space=pltpu.VMEM),
            pl.BlockSpec(memory_space=pltpu.VMEM),
            pl.BlockSpec(memory_space=pltpu.VMEM),
        ],
        scratch_shapes=[
            pltpu.VMEM((B, NPG, D), jnp.float32),
            pltpu.SemaphoreType.DMA,
        ],
    )(x3, p3, proj_w, proj_b)


def kernel(x, edge_index, batch, gnn_w_rel, gnn_b_rel, gnn_w_root, proj_w, proj_b):
    s, r = _prep(x, gnn_w_rel, gnn_w_root, gnn_b_rel)
    partials = _seg_sum(s, r, edge_index)
    x3 = x.reshape(B, NPG, D)
    return _pool_project(x3, partials, proj_w, proj_b)

# --- scband reference (transcript-rebuilt; emitter-appended) ---
"""Pipeline reference for scband-sagpooling-layer-57655640982223 (READ-ONLY COPY).

The authoritative reference and input builder live on the scoring server;
editing this copy changes nothing except your own understanding.
"""

import jax, jax.numpy as jnp
import numpy as np
import math

N = 10000
E = 320000
D = 128
B = 16
NPG = N // B  # 625 nodes per graph
RATIO = 0.5
K = math.ceil(RATIO * NPG)  # 313, matches PyG topk ceil(ratio*n)
OUT_DIM = 256


def setup_inputs(seed: int = 0) -> dict:
    key = jax.random.key(seed)
    ks = jax.random.split(key, 8)
    x = jax.random.normal(ks[0], (N, D), dtype=jnp.float32)
    edge_index = jax.random.randint(ks[1], (2, E), 0, N, dtype=jnp.int32)
    # equal-sized graphs, sorted graph ids (valid instance of sorted_randint fill)
    batch = jnp.repeat(jnp.arange(B, dtype=jnp.int32), NPG)
    s = 1.0 / np.sqrt(D)
    # SAGPooling's internal GraphConv(node_dim, 1): lin_rel (with bias) + lin_root (no bias)
    gnn_w_rel = jax.random.uniform(ks[2], (1, D), jnp.float32, -s, s)
    gnn_b_rel = jax.random.uniform(ks[3], (1,), jnp.float32, -s, s)
    gnn_w_root = jax.random.uniform(ks[4], (1, D), jnp.float32, -s, s)
    # projection Linear(node_dim, output_dim)
    proj_w = jax.random.uniform(ks[5], (OUT_DIM, D), jnp.float32, -s, s)
    proj_b = jax.random.uniform(ks[6], (OUT_DIM,), jnp.float32, -s, s)
    return {"x": x, "edge_index": edge_index, "batch": batch,
            "gnn_w_rel": gnn_w_rel, "gnn_b_rel": gnn_b_rel, "gnn_w_root": gnn_w_root,
            "proj_w": proj_w, "proj_b": proj_b}


def reference(x, edge_index, batch, gnn_w_rel, gnn_b_rel, gnn_w_root, proj_w, proj_b):
    src = edge_index[0]
    dst = edge_index[1]
    # GraphConv scoring: score_i = W_rel @ (sum_{j->i} x_j) + b_rel + W_root @ x_i
    aggr = jax.ops.segment_sum(jnp.take(x, src, axis=0), dst, num_segments=N)
    score = aggr @ gnn_w_rel.T + gnn_b_rel + x @ gnn_w_root.T  # [N, 1]
    score = jnp.tanh(score.reshape(-1))  # SAGPooling nonlinearity (min_score=None)
    # per-graph top-k (equal-size graphs, nodes sorted by batch id)
    score_g = score.reshape(B, NPG)
    topv, topi = jax.lax.top_k(score_g, K)  # [B, K]
    x_g = x.reshape(B, NPG, D)
    x_sel = jnp.take_along_axis(x_g, topi[..., None], axis=1)  # [B, K, D]
    x_sel = x_sel * topv[..., None]  # x[perm] * score[perm], multiplier=1
    # global_mean_pool over selected nodes per graph
    pooled = jnp.mean(x_sel, axis=1)  # [B, D]
    out = pooled @ proj_w.T + proj_b  # [B, OUT_DIM]
    return out

if __name__ == "__main__":
    import jax
    _d = setup_inputs()
    print(jax.jit(kernel)(*tuple(_d.values())))

</pallas_src>

<mosaic_0001>
#map = affine_map<(d0, d1) -> (0)>
#map1 = affine_map<(d0, d1) -> (0, 0)>
module attributes {stable_mosaic.version = 14 : i64} {
  func.func @_seg_sum(%arg0: i32, %arg1: i32, %arg2: memref<10240xf32, #tpu.memory_space<hbm>>, %arg3: memref<10240xf32, #tpu.memory_space<hbm>>, %arg4: memref<2x320000xi32, #tpu.memory_space<hbm>>, %arg5: memref<32x10000xf32, #tpu.memory_space<hbm>>, %arg6: memref<10240xf32, #tpu.memory_space<vmem>>, %arg7: memref<2x10112xi32, #tpu.memory_space<vmem>>, %arg8: memref<10000xf32, #tpu.memory_space<vmem>>) attributes {dimension_semantics = [#tpu.dimension_semantics<core_parallel>, #tpu.dimension_semantics<subcore_parallel>], iteration_bounds = array<i64: 2, 16>, scalar_prefetch = 0 : i64, scratch_operands = 3 : i64, tpu.core_type = #tpu.core_type<sc_vector_subcore>, window_params = [{transform_indices = #map}, {transform_indices = #map}, {transform_indices = #map1}, {transform_indices = #map1}]} {
    %mul3A = arith.constant 2 : i32
    %mul3A_0 = arith.muli %arg1, %mul3A : i32
    %add3A = arith.addi %mul3A_0, %arg0 : i32
    "tpu.region"() ({
      %run_scoped3A = tpu.sem_alloc : memref<!tpu.dma_semaphore, #tpu.memory_space<semaphore_mem>>
      tpu.enqueue_dma source(%arg2 : memref<10240xf32, #tpu.memory_space<hbm>>) target(%arg6 : memref<10240xf32, #tpu.memory_space<vmem>>) target_semaphore(%run_scoped3A : memref<!tpu.dma_semaphore, #tpu.memory_space<semaphore_mem>>)
      tpu.wait_dma2 semaphore(%run_scoped3A : memref<!tpu.dma_semaphore, #tpu.memory_space<semaphore_mem>>) src(%arg2 : memref<10240xf32, #tpu.memory_space<hbm>>) dst(%arg6 : memref<10240xf32, #tpu.memory_space<vmem>>)
      tpu.yield
    }) : () -> ()
    %mul3A_1 = arith.constant 9984 : i32
    %mul3A_2 = arith.muli %add3A, %mul3A_1 : i32
    "tpu.region"() ({
      %run_scoped3A = tpu.sem_alloc : memref<!tpu.dma_semaphore, #tpu.memory_space<semaphore_mem>>
      %dma_start3A = arith.constant 0 : i32
      %dma_start3A_20 = arith.constant 0 : i32
      %dma_start3A_21 = tpu.memref_slice %arg7[%dma_start3A, %dma_start3A_20] : memref<2x10112xi32, #tpu.memory_space<vmem>> -> memref<2x9984xi32, #tpu.memory_space<vmem>>
      %dma_start3A_22 = arith.constant 0 : i32
      %dma_start3A_23 = tpu.memref_slice %arg4[%dma_start3A_22, %mul3A_2] : memref<2x320000xi32, #tpu.memory_space<hbm>> -> memref<2x9984xi32, #tpu.memory_space<hbm>>
      %dma_start3A_24 = arith.constant 0 : i32
      %dma_start3A_25 = arith.constant 0 : i32
      %dma_start3A_26 = tpu.memref_slice %arg7[%dma_start3A_24, %dma_start3A_25] : memref<2x10112xi32, #tpu.memory_space<vmem>> -> memref<2x9984xi32, #tpu.memory_space<vmem>>
      %dma_start3A_27 = arith.constant 0 : i32
      %dma_start3A_28 = tpu.memref_slice %arg4[%dma_start3A_27, %mul3A_2] : memref<2x320000xi32, #tpu.memory_space<hbm>> -> memref<2x9984xi32, #tpu.memory_space<hbm>>
      tpu.enqueue_dma source(%dma_start3A_28 : memref<2x9984xi32, #tpu.memory_space<hbm>>) target(%dma_start3A_26 : memref<2x9984xi32, #tpu.memory_space<vmem>>) target_semaphore(%run_scoped3A : memref<!tpu.dma_semaphore, #tpu.memory_space<semaphore_mem>>)
      %dma_wait3A = arith.constant 0 : i32
      %dma_wait3A_29 = arith.constant 0 : i32
      %dma_wait3A_30 = tpu.memref_slice %arg7[%dma_wait3A, %dma_wait3A_29] : memref<2x10112xi32, #tpu.memory_space<vmem>> -> memref<2x9984xi32, #tpu.memory_space<vmem>>
      %dma_wait3A_31 = arith.constant 0 : i32
      %dma_wait3A_32 = tpu.memref_slice %arg4[%dma_wait3A_31, %mul3A_2] : memref<2x320000xi32, #tpu.memory_space<hbm>> -> memref<2x9984xi32, #tpu.memory_space<hbm>>
      %dma_wait3A_33 = arith.constant 0 : i32
      %dma_wait3A_34 = arith.constant 0 : i32
      %dma_wait3A_35 = tpu.memref_slice %arg7[%dma_wait3A_33, %dma_wait3A_34] : memref<2x10112xi32, #tpu.memory_space<vmem>> -> memref<2x9984xi32, #tpu.memory_space<vmem>>
      %dma_wait3A_36 = arith.constant 0 : i32
      %dma_wait3A_37 = tpu.memref_slice %arg4[%dma_wait3A_36, %mul3A_2] : memref<2x320000xi32, #tpu.memory_space<hbm>> -> memref<2x9984xi32, #tpu.memory_space<hbm>>
      tpu.wait_dma2 semaphore(%run_scoped3A : memref<!tpu.dma_semaphore, #tpu.memory_space<semaphore_mem>>) src(%dma_wait3A_37 : memref<2x9984xi32, #tpu.memory_space<hbm>>) dst(%dma_wait3A_35 : memref<2x9984xi32, #tpu.memory_space<vmem>>)
      tpu.yield
    }) : () -> ()
    %eq3A = arith.constant 0 : i32
    %eq3A_3 = arith.cmpi eq, %add3A, %eq3A : i32
    %convert_element_type3A = arith.extui %eq3A_3 : i1 to i32
    %cond3A = arith.constant 0 : i32
    %cond3A_4 = arith.cmpi ne, %convert_element_type3A, %cond3A : i32
    scf.if %cond3A_4 {
      "tpu.region"() ({
        %run_scoped3A = tpu.sem_alloc : memref<!tpu.dma_semaphore, #tpu.memory_space<semaphore_mem>>
        %dma_start3A = arith.constant 0 : i32
        %dma_start3A_20 = tpu.memref_slice %arg3[%dma_start3A] : memref<10240xf32, #tpu.memory_space<hbm>> -> memref<10000xf32, #tpu.memory_space<hbm>>
        %dma_start3A_21 = arith.constant 0 : i32
        %dma_start3A_22 = tpu.memref_slice %arg3[%dma_start3A_21] : memref<10240xf32, #tpu.memory_space<hbm>> -> memref<10000xf32, #tpu.memory_space<hbm>>
        tpu.enqueue_dma source(%dma_start3A_22 : memref<10000xf32, #tpu.memory_space<hbm>>) target(%arg8 : memref<10000xf32, #tpu.memory_space<vmem>>) target_semaphore(%run_scoped3A : memref<!tpu.dma_semaphore, #tpu.memory_space<semaphore_mem>>)
        %dma_wait3A = arith.constant 0 : i32
        %dma_wait3A_23 = tpu.memref_slice %arg3[%dma_wait3A] : memref<10240xf32, #tpu.memory_space<hbm>> -> memref<10000xf32, #tpu.memory_space<hbm>>
        %dma_wait3A_24 = arith.constant 0 : i32
        %dma_wait3A_25 = tpu.memref_slice %arg3[%dma_wait3A_24] : memref<10240xf32, #tpu.memory_space<hbm>> -> memref<10000xf32, #tpu.memory_space<hbm>>
        tpu.wait_dma2 semaphore(%run_scoped3A : memref<!tpu.dma_semaphore, #tpu.memory_space<semaphore_mem>>) src(%dma_wait3A_25 : memref<10000xf32, #tpu.memory_space<hbm>>) dst(%arg8 : memref<10000xf32, #tpu.memory_space<vmem>>)
        tpu.yield
      }) : () -> ()
    } else {
    }
    %ne3A = arith.constant 0 : i32
    %ne3A_5 = arith.cmpi ne, %add3A, %ne3A : i32
    %convert_element_type3A_6 = arith.extui %ne3A_5 : i1 to i32
    %cond3A_7 = arith.constant 0 : i32
    %cond3A_8 = arith.cmpi ne, %convert_element_type3A_6, %cond3A_7 : i32
    scf.if %cond3A_8 {
      %broadcast_in_dim3A = arith.constant 0.000000e+00 : f32
      %broadcast_in_dim3A_20 = vector.broadcast %broadcast_in_dim3A : f32 to vector<16xf32>
      %parallel_loop3A_21 = arith.constant 0 : i32
      %parallel_loop3A_22 = arith.constant 625 : i32
      %parallel_loop3A_23 = arith.constant 1 : i32
      scf.for %parallel_loop3A_24 = %parallel_loop3A_21 to %parallel_loop3A_22 step %parallel_loop3A_23  : i32 {
        %parallel_loop3A_25 = arith.constant 16 : i32
        %parallel_loop3A_26 = arith.muli %parallel_loop3A_24, %parallel_loop3A_25 : i32
        %parallel_loop3A_27 = arith.index_cast %parallel_loop3A_26 : i32 to index
        %parallel_loop3A_28 = tpu.vector_load %arg8[%parallel_loop3A_27] {strides = array<i32>} : memref<10000xf32, #tpu.memory_space<vmem>>, vector<16xf32>,
        tpu.vector_store %arg8[%parallel_loop3A_27], %broadcast_in_dim3A_20 {strides = array<i32>} : memref<10000xf32, #tpu.memory_space<vmem>>, vector<16xf32>,
      } {sc.loop_unroll_factor = 16 : i64, sc.parallel_access}
    } else {
    }
    %lt3A = arith.constant 4 : i32
    %lt3A_9 = arith.cmpi slt, %add3A, %lt3A : i32
    %convert_element_type3A_10 = arith.extui %lt3A_9 : i1 to i32
    %cond3A_11 = arith.constant 0 : i32
    %cond3A_12 = arith.cmpi ne, %convert_element_type3A_10, %cond3A_11 : i32
    scf.if %cond3A_12 {
      %add3A_20 = arith.constant 2496 : i32
      %add3A_21 = arith.addi %add3A_20, %add3A : i32
      %mul3A_22 = arith.constant 128 : i32
      %mul3A_23 = arith.muli %add3A_21, %mul3A_22 : i32
      "tpu.region"() ({
        %run_scoped3A = tpu.sem_alloc : memref<!tpu.dma_semaphore, #tpu.memory_space<semaphore_mem>>
        %dma_start3A = arith.constant 0 : i32
        %dma_start3A_24 = arith.constant 9984 : i32
        %dma_start3A_25 = tpu.memref_slice %arg7[%dma_start3A, %dma_start3A_24] : memref<2x10112xi32, #tpu.memory_space<vmem>> -> memref<2x128xi32, #tpu.memory_space<vmem>>
        %dma_start3A_26 = arith.constant 0 : i32
        %dma_start3A_27 = tpu.memref_slice %arg4[%dma_start3A_26, %mul3A_23] : memref<2x320000xi32, #tpu.memory_space<hbm>> -> memref<2x128xi32, #tpu.memory_space<hbm>>
        %dma_start3A_28 = arith.constant 0 : i32
        %dma_start3A_29 = arith.constant 9984 : i32
        %dma_start3A_30 = tpu.memref_slice %arg7[%dma_start3A_28, %dma_start3A_29] : memref<2x10112xi32, #tpu.memory_space<vmem>> -> memref<2x128xi32, #tpu.memory_space<vmem>>
        %dma_start3A_31 = arith.constant 0 : i32
        %dma_start3A_32 = tpu.memref_slice %arg4[%dma_start3A_31, %mul3A_23] : memref<2x320000xi32, #tpu.memory_space<hbm>> -> memref<2x128xi32, #tpu.memory_space<hbm>>
        tpu.enqueue_dma source(%dma_start3A_32 : memref<2x128xi32, #tpu.memory_space<hbm>>) target(%dma_start3A_30 : memref<2x128xi32, #tpu.memory_space<vmem>>) target_semaphore(%run_scoped3A : memref<!tpu.dma_semaphore, #tpu.memory_space<semaphore_mem>>)
        %dma_wait3A = arith.constant 0 : i32
        %dma_wait3A_33 = arith.constant 9984 : i32
        %dma_wait3A_34 = tpu.memref_slice %arg7[%dma_wait3A, %dma_wait3A_33] : memref<2x10112xi32, #tpu.memory_space<vmem>> -> memref<2x128xi32, #tpu.memory_space<vmem>>
        %dma_wait3A_35 = arith.constant 0 : i32
        %dma_wait3A_36 = tpu.memref_slice %arg4[%dma_wait3A_35, %mul3A_23] : memref<2x320000xi32, #tpu.memory_space<hbm>> -> memref<2x128xi32, #tpu.memory_space<hbm>>
        %dma_wait3A_37 = arith.constant 0 : i32
        %dma_wait3A_38 = arith.constant 9984 : i32
        %dma_wait3A_39 = tpu.memref_slice %arg7[%dma_wait3A_37, %dma_wait3A_38] : memref<2x10112xi32, #tpu.memory_space<vmem>> -> memref<2x128xi32, #tpu.memory_space<vmem>>
        %dma_wait3A_40 = arith.constant 0 : i32
        %dma_wait3A_41 = tpu.memref_slice %arg4[%dma_wait3A_40, %mul3A_23] : memref<2x320000xi32, #tpu.memory_space<hbm>> -> memref<2x128xi32, #tpu.memory_space<hbm>>
        tpu.wait_dma2 semaphore(%run_scoped3A : memref<!tpu.dma_semaphore, #tpu.memory_space<semaphore_mem>>) src(%dma_wait3A_41 : memref<2x128xi32, #tpu.memory_space<hbm>>) dst(%dma_wait3A_39 : memref<2x128xi32, #tpu.memory_space<vmem>>)
        tpu.yield
      }) : () -> ()
    } else {
    }
    %parallel_loop3A = arith.constant 0 : i32
    %parallel_loop3A_13 = arith.constant 624 : i32
    %parallel_loop3A_14 = arith.constant 1 : i32
    scf.for %parallel_loop3A_20 = %parallel_loop3A to %parallel_loop3A_13 step %parallel_loop3A_14  : i32 {
      %parallel_loop3A_21 = arith.constant 16 : i32
      %parallel_loop3A_22 = arith.muli %parallel_loop3A_20, %parallel_loop3A_21 : i32
      %parallel_loop3A_23 = arith.constant 0 : i32
      %parallel_loop3A_24 = arith.index_cast %parallel_loop3A_23 : i32 to index
      %parallel_loop3A_25 = arith.index_cast %parallel_loop3A_22 : i32 to index
      %parallel_loop3A_26 = tpu.vector_load %arg7[%parallel_loop3A_24, %parallel_loop3A_25] {strides = array<i32>} : memref<2x10112xi32, #tpu.memory_space<vmem>>, vector<16xi32>,
      %parallel_loop3A_27 = arith.constant 16 : i32
      %parallel_loop3A_28 = arith.muli %parallel_loop3A_20, %parallel_loop3A_27 : i32
      %parallel_loop3A_29 = arith.constant 1 : i32
      %parallel_loop3A_30 = arith.index_cast %parallel_loop3A_29 : i32 to index
      %parallel_loop3A_31 = arith.index_cast %parallel_loop3A_28 : i32 to index
      %parallel_loop3A_32 = tpu.vector_load %arg7[%parallel_loop3A_30, %parallel_loop3A_31] {strides = array<i32>} : memref<2x10112xi32, #tpu.memory_space<vmem>>, vector<16xi32>,
      %parallel_loop3A_33 = tpu.vector_load_idx %arg6[%parallel_loop3A_26] : memref<10240xf32, #tpu.memory_space<vmem>>[vector<16xi32>], vector<16xf32>,
      tpu.vector_store_idx %arg8[%parallel_loop3A_32], %parallel_loop3A_33 {add = true} : memref<10000xf32, #tpu.memory_space<vmem>>[vector<16xi32>], vector<16xf32>,
    } {sc.loop_unroll_factor = 16 : i64, sc.parallel_access}
    %lt3A_15 = arith.constant 4 : i32
    %lt3A_16 = arith.cmpi slt, %add3A, %lt3A_15 : i32
    %convert_element_type3A_17 = arith.extui %lt3A_16 : i1 to i32
    %cond3A_18 = arith.constant 0 : i32
    %cond3A_19 = arith.cmpi ne, %convert_element_type3A_17, %cond3A_18 : i32
    scf.if %cond3A_19 {
      %parallel_loop3A_20 = arith.constant 624 : i32
      %parallel_loop3A_21 = arith.constant 632 : i32
      %parallel_loop3A_22 = arith.constant 1 : i32
      scf.for %parallel_loop3A_23 = %parallel_loop3A_20 to %parallel_loop3A_21 step %parallel_loop3A_22  : i32 {
        %parallel_loop3A_24 = arith.constant 16 : i32
        %parallel_loop3A_25 = arith.muli %parallel_loop3A_23, %parallel_loop3A_24 : i32
        %parallel_loop3A_26 = arith.constant 0 : i32
        %parallel_loop3A_27 = arith.index_cast %parallel_loop3A_26 : i32 to index
        %parallel_loop3A_28 = arith.index_cast %parallel_loop3A_25 : i32 to index
        %parallel_loop3A_29 = tpu.vector_load %arg7[%parallel_loop3A_27, %parallel_loop3A_28] {strides = array<i32>} : memref<2x10112xi32, #tpu.memory_space<vmem>>, vector<16xi32>,
        %parallel_loop3A_30 = arith.constant 16 : i32
        %parallel_loop3A_31 = arith.muli %parallel_loop3A_23, %parallel_loop3A_30 : i32
        %parallel_loop3A_32 = arith.constant 1 : i32
        %parallel_loop3A_33 = arith.index_cast %parallel_loop3A_32 : i32 to index
        %parallel_loop3A_34 = arith.index_cast %parallel_loop3A_31 : i32 to index
        %parallel_loop3A_35 = tpu.vector_load %arg7[%parallel_loop3A_33, %parallel_loop3A_34] {strides = array<i32>} : memref<2x10112xi32, #tpu.memory_space<vmem>>, vector<16xi32>,
        %parallel_loop3A_36 = tpu.vector_load_idx %arg6[%parallel_loop3A_29] : memref<10240xf32, #tpu.memory_space<vmem>>[vector<16xi32>], vector<16xf32>,
        tpu.vector_store_idx %arg8[%parallel_loop3A_35], %parallel_loop3A_36 {add = true} : memref<10000xf32, #tpu.memory_space<vmem>>[vector<16xi32>], vector<16xf32>,
      } {sc.loop_unroll_factor = 16 : i64, sc.parallel_access}
    } else {
    }
    "tpu.region"() ({
      %run_scoped3A = tpu.sem_alloc : memref<!tpu.dma_semaphore, #tpu.memory_space<semaphore_mem>>
      %dma_start3A = arith.constant 0 : i32
      %dma_start3A_20 = tpu.memref_slice %arg5[%add3A, %dma_start3A] : memref<32x10000xf32, #tpu.memory_space<hbm>> -> memref<1x10000xf32, #tpu.memory_space<hbm>>
      %dma_start3A_21 = tpu.memref_squeeze %dma_start3A_20 : memref<1x10000xf32, #tpu.memory_space<hbm>> -> memref<10000xf32, #tpu.memory_space<hbm>>
      %dma_start3A_22 = arith.constant 0 : i32
      %dma_start3A_23 = tpu.memref_slice %arg5[%add3A, %dma_start3A_22] : memref<32x10000xf32, #tpu.memory_space<hbm>> -> memref<1x10000xf32, #tpu.memory_space<hbm>>
      %dma_start3A_24 = tpu.memref_squeeze %dma_start3A_23 : memref<1x10000xf32, #tpu.memory_space<hbm>> -> memref<10000xf32, #tpu.memory_space<hbm>>
      tpu.enqueue_dma source(%arg8 : memref<10000xf32, #tpu.memory_space<vmem>>) target(%dma_start3A_24 : memref<10000xf32, #tpu.memory_space<hbm>>) target_semaphore(%run_scoped3A : memref<!tpu.dma_semaphore, #tpu.memory_space<semaphore_mem>>)
      %dma_wait3A = arith.constant 0 : i32
      %dma_wait3A_25 = tpu.memref_slice %arg5[%add3A, %dma_wait3A] : memref<32x10000xf32, #tpu.memory_space<hbm>> -> memref<1x10000xf32, #tpu.memory_space<hbm>>
      %dma_wait3A_26 = tpu.memref_squeeze %dma_wait3A_25 : memref<1x10000xf32, #tpu.memory_space<hbm>> -> memref<10000xf32, #tpu.memory_space<hbm>>
      %dma_wait3A_27 = arith.constant 0 : i32
      %dma_wait3A_28 = tpu.memref_slice %arg5[%add3A, %dma_wait3A_27] : memref<32x10000xf32, #tpu.memory_space<hbm>> -> memref<1x10000xf32, #tpu.memory_space<hbm>>
      %dma_wait3A_29 = tpu.memref_squeeze %dma_wait3A_28 : memref<1x10000xf32, #tpu.memory_space<hbm>> -> memref<10000xf32, #tpu.memory_space<hbm>>
      tpu.wait_dma2 semaphore(%run_scoped3A : memref<!tpu.dma_semaphore, #tpu.memory_space<semaphore_mem>>) src(%arg8 : memref<10000xf32, #tpu.memory_space<vmem>>) dst(%dma_wait3A_29 : memref<10000xf32, #tpu.memory_space<hbm>>)
      tpu.yield
    }) : () -> ()
    return
  }
}

module attributes {stable_mosaic.version = 14 : i64} {
  func.func @_prep_body(%arg0: i32, %arg1: memref<1024x128xf32, #tpu.memory_space<vmem>>, %arg2: memref<1x128xf32, #tpu.memory_space<vmem>>, %arg3: memref<1x128xf32, #tpu.memory_space<vmem>>, %arg4: memref<1xf32, #tpu.memory_space<smem>>, %arg5: memref<1024xf32, #tpu.memory_space<vmem>>, %arg6: memref<1024xf32, #tpu.memory_space<vmem>>) attributes {dimension_semantics = [#tpu.dimension_semantics<arbitrary>], iteration_bounds = array<i64: 10>, scalar_prefetch = 0 : i64, scratch_operands = 0 : i64, tpu.core_type = #tpu.core_type<tc>, window_params = [{transform_indices = @transform_0, window_bounds = array<i64: 1024, 128>}, {pipeline_mode = #tpu.pipeline_mode<synchronous>, transform_indices = @transform_1, window_bounds = array<i64: 1, 128>}, {pipeline_mode = #tpu.pipeline_mode<synchronous>, transform_indices = @transform_2, window_bounds = array<i64: 1, 128>}, {transform_indices = @transform_3, window_bounds = array<i64: 1>}, {transform_indices = @transform_4, window_bounds = array<i64: 1024>}, {transform_indices = @transform_5, window_bounds = array<i64: 1024>}]} {
    %get3A = arith.constant 0 : index
    %get3A_0 = arith.constant 0 : index
    %get3A_1 = vector.load %arg2[%get3A, %get3A_0] : memref<1x128xf32, #tpu.memory_space<vmem>>, vector<1x128xf32>
    %get3A_2 = arith.constant 0 : index
    %get3A_3 = arith.constant 0 : index
    %get3A_4 = vector.load %arg3[%get3A_2, %get3A_3] : memref<1x128xf32, #tpu.memory_space<vmem>>, vector<1x128xf32>
    %concatenate3A = tpu.concatenate %get3A_1, %get3A_4 in 0 : vector<1x128xf32>, vector<1x128xf32> -> vector<2x128xf32>
    %get3A_5 = arith.constant 0 : index
    %get3A_6 = arith.constant 0 : index
    %get3A_7 = vector.load %arg1[%get3A_5, %get3A_6] : memref<1024x128xf32, #tpu.memory_space<vmem>>, vector<1024x128xf32>
    %dot_general3A = arith.constant dense<0.000000e+00> : vector<2x1024xf32>
    %dot_general3A_8 = tpu.matmul %concatenate3A, %get3A_7, %dot_general3A {dimension_numbers = #tpu.dot_dimension_numbers<[1], [1], [0], [0], [0, 0, 1, 0], [], []>, precision = #tpu.contract_precision<fp32>, transpose_lhs_hint = false} : vector<2x128xf32>, vector<1024x128xf32>, vector<2x1024xf32> -> vector<2x1024xf32>
    %slice3A = vector.extract_strided_slice %dot_general3A_8 {offsets = [0, 0], sizes = [1, 1024], strides = [1, 1]} : vector<2x1024xf32> to vector<1x1024xf32>
    %squeeze3A = vector.shape_cast %slice3A : vector<1x1024xf32> to vector<1024xf32>
    %swap3A = arith.constant 0 : index
    %swap3A_9 = vector.load %arg5[%swap3A] : memref<1024xf32, #tpu.memory_space<vmem>>, vector<1024xf32>
    tpu.vector_store %arg5[%swap3A], %squeeze3A {strides = array<i32>} : memref<1024xf32, #tpu.memory_space<vmem>>, vector<1024xf32>,
    %slice3A_10 = vector.extract_strided_slice %dot_general3A_8 {offsets = [1, 0], sizes = [1, 1024], strides = [1, 1]} : vector<2x1024xf32> to vector<1x1024xf32>
    %squeeze3A_11 = vector.shape_cast %slice3A_10 : vector<1x1024xf32> to vector<1024xf32>
    %get3A_12 = arith.constant 0 : index
    %get3A_13 = memref.load %arg4[%get3A_12] : memref<1xf32, #tpu.memory_space<smem>>
    %add3A = vector.broadcast %get3A_13 : f32 to vector<1024xf32>
    %add3A_14 = arith.addf %squeeze3A_11, %add3A : vector<1024xf32>
    %swap3A_15 = arith.constant 0 : index
    %swap3A_16 = vector.load %arg6[%swap3A_15] : memref<1024xf32, #tpu.memory_space<vmem>>, vector<1024xf32>
    tpu.vector_store %arg6[%swap3A_15], %add3A_14 {strides = array<i32>} : memref<1024xf32, #tpu.memory_space<vmem>>, vector<1024xf32>,
    return
  }
  func.func @transform_0(%arg0: i32) -> (i32, i32) {
    %c0_i32 = arith.constant 0 : i32
    %c0_i32_0 = arith.constant 0 : i32
    return %arg0, %c0_i32 : i32, i32
  }
  func.func @transform_1(%arg0: i32) -> (i32, i32) {
    %c0_i32 = arith.constant 0 : i32
    %c0_i32_0 = arith.constant 0 : i32
    %c0_i32_1 = arith.constant 0 : i32
    return %c0_i32, %c0_i32_0 : i32, i32
  }
  func.func @transform_2(%arg0: i32) -> (i32, i32) {
    %c0_i32 = arith.constant 0 : i32
    %c0_i32_0 = arith.constant 0 : i32
    %c0_i32_1 = arith.constant 0 : i32
    return %c0_i32, %c0_i32_0 : i32, i32
  }
  func.func @transform_3(%arg0: i32) -> i32 {
    %c0_i32 = arith.constant 0 : i32
    %c0_i32_0 = arith.constant 0 : i32
    return %c0_i32 : i32
  }
  func.func @transform_4(%arg0: i32) -> i32 {
    %c0_i32 = arith.constant 0 : i32
    return %arg0 : i32
  }
  func.func @transform_5(%arg0: i32) -> i32 {
    %c0_i32 = arith.constant 0 : i32
    return %arg0 : i32
  }
}

module attributes {stable_mosaic.version = 14 : i64} {
  func.func @_pool_body(%arg0: memref<16x625x128xf32, #tpu.memory_space<any>>, %arg1: memref<32x10000xf32, #tpu.memory_space<vmem>>, %arg2: memref<256x128xf32, #tpu.memory_space<vmem>>, %arg3: memref<256xf32, #tpu.memory_space<vmem>>, %arg4: memref<16x256xf32, #tpu.memory_space<vmem>>, %arg5: memref<16x625x128xf32, #tpu.memory_space<vmem>>, %arg6: memref<!tpu.dma_semaphore, #tpu.memory_space<semaphore_mem>>) attributes {dimension_semantics = [], scalar_prefetch = 0 : i64, scratch_operands = 2 : i64, tpu.core_type = #tpu.core_type<tc>} {
    tpu.enqueue_dma source(%arg0 : memref<16x625x128xf32, #tpu.memory_space<any>>) target(%arg5 : memref<16x625x128xf32, #tpu.memory_space<vmem>>) target_semaphore(%arg6 : memref<!tpu.dma_semaphore, #tpu.memory_space<semaphore_mem>>)
    %get3A = arith.constant 0 : index
    %get3A_0 = arith.constant 0 : index
    %get3A_1 = vector.load %arg1[%get3A, %get3A_0] : memref<32x10000xf32, #tpu.memory_space<vmem>>, vector<32x10000xf32>
    %reduce_sum3A = arith.constant dense<0.000000e+00> : vector<10000xf32>
    %reduce_sum3A_2 = vector.multi_reduction <add>, %get3A_1, %reduce_sum3A [0] : vector<32x10000xf32> to vector<10000xf32>
    %slice3A = vector.extract_strided_slice %reduce_sum3A_2 {offsets = [0], sizes = [625], strides = [1]} : vector<10000xf32> to vector<625xf32>
    %slice3A_3 = vector.extract_strided_slice %reduce_sum3A_2 {offsets = [625], sizes = [625], strides = [1]} : vector<10000xf32> to vector<625xf32>
    %slice3A_4 = vector.extract_strided_slice %reduce_sum3A_2 {offsets = [1250], sizes = [625], strides = [1]} : vector<10000xf32> to vector<625xf32>
    %slice3A_5 = vector.extract_strided_slice %reduce_sum3A_2 {offsets = [1875], sizes = [625], strides = [1]} : vector<10000xf32> to vector<625xf32>
    %slice3A_6 = vector.extract_strided_slice %reduce_sum3A_2 {offsets = [2500], sizes = [625], strides = [1]} : vector<10000xf32> to vector<625xf32>
    %slice3A_7 = vector.extract_strided_slice %reduce_sum3A_2 {offsets = [3125], sizes = [625], strides = [1]} : vector<10000xf32> to vector<625xf32>
    %slice3A_8 = vector.extract_strided_slice %reduce_sum3A_2 {offsets = [3750], sizes = [625], strides = [1]} : vector<10000xf32> to vector<625xf32>
    %slice3A_9 = vector.extract_strided_slice %reduce_sum3A_2 {offsets = [4375], sizes = [625], strides = [1]} : vector<10000xf32> to vector<625xf32>
    %slice3A_10 = vector.extract_strided_slice %reduce_sum3A_2 {offsets = [5000], sizes = [625], strides = [1]} : vector<10000xf32> to vector<625xf32>
    %slice3A_11 = vector.extract_strided_slice %reduce_sum3A_2 {offsets = [5625], sizes = [625], strides = [1]} : vector<10000xf32> to vector<625xf32>
    %slice3A_12 = vector.extract_strided_slice %reduce_sum3A_2 {offsets = [6250], sizes = [625], strides = [1]} : vector<10000xf32> to vector<625xf32>
    %slice3A_13 = vector.extract_strided_slice %reduce_sum3A_2 {offsets = [6875], sizes = [625], strides = [1]} : vector<10000xf32> to vector<625xf32>
    %slice3A_14 = vector.extract_strided_slice %reduce_sum3A_2 {offsets = [7500], sizes = [625], strides = [1]} : vector<10000xf32> to vector<625xf32>
    %slice3A_15 = vector.extract_strided_slice %reduce_sum3A_2 {offsets = [8125], sizes = [625], strides = [1]} : vector<10000xf32> to vector<625xf32>
    %slice3A_16 = vector.extract_strided_slice %reduce_sum3A_2 {offsets = [8750], sizes = [625], strides = [1]} : vector<10000xf32> to vector<625xf32>
    %slice3A_17 = vector.extract_strided_slice %reduce_sum3A_2 {offsets = [9375], sizes = [625], strides = [1]} : vector<10000xf32> to vector<625xf32>
    %stack3A = vector.shape_cast %slice3A : vector<625xf32> to vector<1x625xf32>
    %stack3A_18 = vector.shape_cast %slice3A_3 : vector<625xf32> to vector<1x625xf32>
    %stack3A_19 = vector.shape_cast %slice3A_4 : vector<625xf32> to vector<1x625xf32>
    %stack3A_20 = vector.shape_cast %slice3A_5 : vector<625xf32> to vector<1x625xf32>
    %stack3A_21 = vector.shape_cast %slice3A_6 : vector<625xf32> to vector<1x625xf32>
    %stack3A_22 = vector.shape_cast %slice3A_7 : vector<625xf32> to vector<1x625xf32>
    %stack3A_23 = vector.shape_cast %slice3A_8 : vector<625xf32> to vector<1x625xf32>
    %stack3A_24 = vector.shape_cast %slice3A_9 : vector<625xf32> to vector<1x625xf32>
    %stack3A_25 = vector.shape_cast %slice3A_10 : vector<625xf32> to vector<1x625xf32>
    %stack3A_26 = vector.shape_cast %slice3A_11 : vector<625xf32> to vector<1x625xf32>
    %stack3A_27 = vector.shape_cast %slice3A_12 : vector<625xf32> to vector<1x625xf32>
    %stack3A_28 = vector.shape_cast %slice3A_13 : vector<625xf32> to vector<1x625xf32>
    %stack3A_29 = vector.shape_cast %slice3A_14 : vector<625xf32> to vector<1x625xf32>
    %stack3A_30 = vector.shape_cast %slice3A_15 : vector<625xf32> to vector<1x625xf32>
    %stack3A_31 = vector.shape_cast %slice3A_16 : vector<625xf32> to vector<1x625xf32>
    %stack3A_32 = vector.shape_cast %slice3A_17 : vector<625xf32> to vector<1x625xf32>
    %stack3A_33 = tpu.concatenate %stack3A, %stack3A_18, %stack3A_19, %stack3A_20, %stack3A_21, %stack3A_22, %stack3A_23, %stack3A_24, %stack3A_25, %stack3A_26, %stack3A_27, %stack3A_28, %stack3A_29, %stack3A_30, %stack3A_31, %stack3A_32 in 0 : vector<1x625xf32>, vector<1x625xf32>, vector<1x625xf32>, vector<1x625xf32>, vector<1x625xf32>, vector<1x625xf32>, vector<1x625xf32>, vector<1x625xf32>, vector<1x625xf32>, vector<1x625xf32>, vector<1x625xf32>, vector<1x625xf32>, vector<1x625xf32>, vector<1x625xf32>, vector<1x625xf32>, vector<1x625xf32> -> vector<16x625xf32>
    %tanh3A = math.tanh %stack3A_33 : vector<16x625xf32>
    %bitcast_convert_type3A = tpu.bitcast %tanh3A : vector<16x625xf32> -> vector<16x625xi32>
    %ge3A = arith.constant 0 : i32
    %ge3A_34 = vector.broadcast %ge3A : i32 to vector<16x625xi32>
    %ge3A_35 = arith.cmpi sge, %bitcast_convert_type3A, %ge3A_34 : vector<16x625xi32>
    %xor3A = arith.constant 2147483647 : i32
    %xor3A_36 = vector.broadcast %xor3A : i32 to vector<16x625xi32>
    %xor3A_37 = arith.xori %bitcast_convert_type3A, %xor3A_36 : vector<16x625xi32>
    %select_n3A = arith.select %ge3A_35, %bitcast_convert_type3A, %xor3A_37 : vector<16x625xi1>, vector<16x625xi32>
    %broadcast_in_dim3A = arith.constant 0 : i32
    %broadcast_in_dim3A_38 = vector.broadcast %broadcast_in_dim3A : i32 to vector<16x1xi32>
    %or3A = arith.constant -2147483648 : i32
    %or3A_39 = vector.broadcast %or3A : i32 to vector<16x1xi32>
    %or3A_40 = arith.ori %broadcast_in_dim3A_38, %or3A_39 : vector<16x1xi32>
    %xor3A_41 = arith.constant -2147483648 : i32
    %xor3A_42 = vector.broadcast %xor3A_41 : i32 to vector<16x1xi32>
    %xor3A_43 = arith.xori %or3A_40, %xor3A_42 : vector<16x1xi32>
    %ge3A_44 = vector.broadcast %xor3A_43 : vector<16x1xi32> to vector<16x625xi32>
    %ge3A_45 = arith.cmpi sge, %select_n3A, %ge3A_44 : vector<16x625xi32>
    %convert_element_type3A = arith.extui %ge3A_45 : vector<16x625xi1> to vector<16x625xi32>
    %reduce_sum3A_46 = arith.constant dense<0> : vector<16xi32>
    %reduce_sum3A_47 = vector.multi_reduction <add>, %convert_element_type3A, %reduce_sum3A_46 [1] : vector<16x625xi32> to vector<16xi32>
    %broadcast_in_dim3A_48 = vector.shape_cast %reduce_sum3A_47 : vector<16xi32> to vector<16x1xi32>
    %ge3A_49 = arith.constant 313 : i32
    %ge3A_50 = vector.broadcast %ge3A_49 : i32 to vector<16x1xi32>
    %ge3A_51 = arith.cmpi sge, %broadcast_in_dim3A_48, %ge3A_50 : vector<16x1xi32>
    %select_n3A_52 = arith.select %ge3A_51, %or3A_40, %broadcast_in_dim3A_38 : vector<16x1xi1>, vector<16x1xi32>
    %or3A_53 = arith.constant 1073741824 : i32
    %or3A_54 = vector.broadcast %or3A_53 : i32 to vector<16x1xi32>
    %or3A_55 = arith.ori %select_n3A_52, %or3A_54 : vector<16x1xi32>
    %xor3A_56 = arith.constant -2147483648 : i32
    %xor3A_57 = vector.broadcast %xor3A_56 : i32 to vector<16x1xi32>
    %xor3A_58 = arith.xori %or3A_55, %xor3A_57 : vector<16x1xi32>
    %ge3A_59 = vector.broadcast %xor3A_58 : vector<16x1xi32> to vector<16x625xi32>
    %ge3A_60 = arith.cmpi sge, %select_n3A, %ge3A_59 : vector<16x625xi32>
    %convert_element_type3A_61 = arith.extui %ge3A_60 : vector<16x625xi1> to vector<16x625xi32>
    %reduce_sum3A_62 = arith.constant dense<0> : vector<16xi32>
    %reduce_sum3A_63 = vector.multi_reduction <add>, %convert_element_type3A_61, %reduce_sum3A_62 [1] : vector<16x625xi32> to vector<16xi32>
    %broadcast_in_dim3A_64 = vector.shape_cast %reduce_sum3A_63 : vector<16xi32> to vector<16x1xi32>
    %ge3A_65 = arith.constant 313 : i32
    %ge3A_66 = vector.broadcast %ge3A_65 : i32 to vector<16x1xi32>
    %ge3A_67 = arith.cmpi sge, %broadcast_in_dim3A_64, %ge3A_66 : vector<16x1xi32>
    %select_n3A_68 = arith.select %ge3A_67, %or3A_55, %select_n3A_52 : vector<16x1xi1>, vector<16x1xi32>
    %or3A_69 = arith.constant 536870912 : i32
    %or3A_70 = vector.broadcast %or3A_69 : i32 to vector<16x1xi32>
    %or3A_71 = arith.ori %select_n3A_68, %or3A_70 : vector<16x1xi32>
    %xor3A_72 = arith.constant -2147483648 : i32
    %xor3A_73 = vector.broadcast %xor3A_72 : i32 to vector<16x1xi32>
    %xor3A_74 = arith.xori %or3A_71, %xor3A_73 : vector<16x1xi32>
    %ge3A_75 = vector.broadcast %xor3A_74 : vector<16x1xi32> to vector<16x625xi32>
    %ge3A_76 = arith.cmpi sge, %select_n3A, %ge3A_75 : vector<16x625xi32>
    %convert_element_type3A_77 = arith.extui %ge3A_76 : vector<16x625xi1> to vector<16x625xi32>
    %reduce_sum3A_78 = arith.constant dense<0> : vector<16xi32>
    %reduce_sum3A_79 = vector.multi_reduction <add>, %convert_element_type3A_77, %reduce_sum3A_78 [1] : vector<16x625xi32> to vector<16xi32>
    %broadcast_in_dim3A_80 = vector.shape_cast %reduce_sum3A_79 : vector<16xi32> to vector<16x1xi32>
    %ge3A_81 = arith.constant 313 : i32
    %ge3A_82 = vector.broadcast %ge3A_81 : i32 to vector<16x1xi32>
    %ge3A_83 = arith.cmpi sge, %broadcast_in_dim3A_80, %ge3A_82 : vector<16x1xi32>
    %select_n3A_84 = arith.select %ge3A_83, %or3A_71, %select_n3A_68 : vector<16x1xi1>, vector<16x1xi32>
    %or3A_85 = arith.constant 268435456 : i32
    %or3A_86 = vector.broadcast %or3A_85 : i32 to vector<16x1xi32>
    %or3A_87 = arith.ori %select_n3A_84, %or3A_86 : vector<16x1xi32>
    %xor3A_88 = arith.constant -2147483648 : i32
    %xor3A_89 = vector.broadcast %xor3A_88 : i32 to vector<16x1xi32>
    %xor3A_90 = arith.xori %or3A_87, %xor3A_89 : vector<16x1xi32>
    %ge3A_91 = vector.broadcast %xor3A_90 : vector<16x1xi32> to vector<16x625xi32>
    %ge3A_92 = arith.cmpi sge, %select_n3A, %ge3A_91 : vector<16x625xi32>
    %convert_element_type3A_93 = arith.extui %ge3A_92 : vector<16x625xi1> to vector<16x625xi32>
    %reduce_sum3A_94 = arith.constant dense<0> : vector<16xi32>
    %reduce_sum3A_95 = vector.multi_reduction <add>, %convert_element_type3A_93, %reduce_sum3A_94 [1] : vector<16x625xi32> to vector<16xi32>
    %broadcast_in_dim3A_96 = vector.shape_cast %reduce_sum3A_95 : vector<16xi32> to vector<16x1xi32>
    %ge3A_97 = arith.constant 313 : i32
    %ge3A_98 = vector.broadcast %ge3A_97 : i32 to vector<16x1xi32>
    %ge3A_99 = arith.cmpi sge, %broadcast_in_dim3A_96, %ge3A_98 : vector<16x1xi32>
    %select_n3A_100 = arith.select %ge3A_99, %or3A_87, %select_n3A_84 : vector<16x1xi1>, vector<16x1xi32>
    %or3A_101 = arith.constant 134217728 : i32
    %or3A_102 = vector.broadcast %or3A_101 : i32 to vector<16x1xi32>
    %or3A_103 = arith.ori %select_n3A_100, %or3A_102 : vector<16x1xi32>
    %xor3A_104 = arith.constant -2147483648 : i32
    %xor3A_105 = vector.broadcast %xor3A_104 : i32 to vector<16x1xi32>
    %xor3A_106 = arith.xori %or3A_103, %xor3A_105 : vector<16x1xi32>
    %ge3A_107 = vector.broadcast %xor3A_106 : vector<16x1xi32> to vector<16x625xi32>
    %ge3A_108 = arith.cmpi sge, %select_n3A, %ge3A_107 : vector<16x625xi32>
    %convert_element_type3A_109 = arith.extui %ge3A_108 : vector<16x625xi1> to vector<16x625xi32>
    %reduce_sum3A_110 = arith.constant dense<0> : vector<16xi32>
    %reduce_sum3A_111 = vector.multi_reduction <add>, %convert_element_type3A_109, %reduce_sum3A_110 [1] : vector<16x625xi32> to vector<16xi32>
    %broadcast_in_dim3A_112 = vector.shape_cast %reduce_sum3A_111 : vector<16xi32> to vector<16x1xi32>
    %ge3A_113 = arith.constant 313 : i32
    %ge3A_114 = vector.broadcast %ge3A_113 : i32 to vector<16x1xi32>
    %ge3A_115 = arith.cmpi sge, %broadcast_in_dim3A_112, %ge3A_114 : vector<16x1xi32>
    %select_n3A_116 = arith.select %ge3A_115, %or3A_103, %select_n3A_100 : vector<16x1xi1>, vector<16x1xi32>
    %or3A_117 = arith.constant 67108864 : i32
    %or3A_118 = vector.broadcast %or3A_117 : i32 to vector<16x1xi32>
    %or3A_119 = arith.ori %select_n3A_116, %or3A_118 : vector<16x1xi32>
    %xor3A_120 = arith.constant -2147483648 : i32
    %xor3A_121 = vector.broadcast %xor3A_120 : i32 to vector<16x1xi32>
    %xor3A_122 = arith.xori %or3A_119, %xor3A_121 : vector<16x1xi32>
    %ge3A_123 = vector.broadcast %xor3A_122 : vector<16x1xi32> to vector<16x625xi32>
    %ge3A_124 = arith.cmpi sge, %select_n3A, %ge3A_123 : vector<16x625xi32>
    %convert_element_type3A_125 = arith.extui %ge3A_124 : vector<16x625xi1> to vector<16x625xi32>
    %reduce_sum3A_126 = arith.constant dense<0> : vector<16xi32>
    %reduce_sum3A_127 = vector.multi_reduction <add>, %convert_element_type3A_125, %reduce_sum3A_126 [1] : vector<16x625xi32> to vector<16xi32>
    %broadcast_in_dim3A_128 = vector.shape_cast %reduce_sum3A_127 : vector<16xi32> to vector<16x1xi32>
    %ge3A_129 = arith.constant 313 : i32
    %ge3A_130 = vector.broadcast %ge3A_129 : i32 to vector<16x1xi32>
    %ge3A_131 = arith.cmpi sge, %broadcast_in_dim3A_128, %ge3A_130 : vector<16x1xi32>
    %select_n3A_132 = arith.select %ge3A_131, %or3A_119, %select_n3A_116 : vector<16x1xi1>, vector<16x1xi32>
    %or3A_133 = arith.constant 33554432 : i32
    %or3A_134 = vector.broadcast %or3A_133 : i32 to vector<16x1xi32>
    %or3A_135 = arith.ori %select_n3A_132, %or3A_134 : vector<16x1xi32>
    %xor3A_136 = arith.constant -2147483648 : i32
    %xor3A_137 = vector.broadcast %xor3A_136 : i32 to vector<16x1xi32>
    %xor3A_138 = arith.xori %or3A_135, %xor3A_137 : vector<16x1xi32>
    %ge3A_139 = vector.broadcast %xor3A_138 : vector<16x1xi32> to vector<16x625xi32>
    %ge3A_140 = arith.cmpi sge, %select_n3A, %ge3A_139 : vector<16x625xi32>
    %convert_element_type3A_141 = arith.extui %ge3A_140 : vector<16x625xi1> to vector<16x625xi32>
    %reduce_sum3A_142 = arith.constant dense<0> : vector<16xi32>
    %reduce_sum3A_143 = vector.multi_reduction <add>, %convert_element_type3A_141, %reduce_sum3A_142 [1] : vector<16x625xi32> to vector<16xi32>
    %broadcast_in_dim3A_144 = vector.shape_cast %reduce_sum3A_143 : vector<16xi32> to vector<16x1xi32>
    %ge3A_145 = arith.constant 313 : i32
    %ge3A_146 = vector.broadcast %ge3A_145 : i32 to vector<16x1xi32>
    %ge3A_147 = arith.cmpi sge, %broadcast_in_dim3A_144, %ge3A_146 : vector<16x1xi32>
    %select_n3A_148 = arith.select %ge3A_147, %or3A_135, %select_n3A_132 : vector<16x1xi1>, vector<16x1xi32>
    %or3A_149 = arith.constant 16777216 : i32
    %or3A_150 = vector.broadcast %or3A_149 : i32 to vector<16x1xi32>
    %or3A_151 = arith.ori %select_n3A_148, %or3A_150 : vector<16x1xi32>
    %xor3A_152 = arith.constant -2147483648 : i32
    %xor3A_153 = vector.broadcast %xor3A_152 : i32 to vector<16x1xi32>
    %xor3A_154 = arith.xori %or3A_151, %xor3A_153 : vector<16x1xi32>
    %ge3A_155 = vector.broadcast %xor3A_154 : vector<16x1xi32> to vector<16x625xi32>
    %ge3A_156 = arith.cmpi sge, %select_n3A, %ge3A_155 : vector<16x625xi32>
    %convert_element_type3A_157 = arith.extui %ge3A_156 : vector<16x625xi1> to vector<16x625xi32>
    %reduce_sum3A_158 = arith.constant dense<0> : vector<16xi32>
    %reduce_sum3A_159 = vector.multi_reduction <add>, %convert_element_type3A_157, %reduce_sum3A_158 [1] : vector<16x625xi32> to vector<16xi32>
    %broadcast_in_dim3A_160 = vector.shape_cast %reduce_sum3A_159 : vector<16xi32> to vector<16x1xi32>
    %ge3A_161 = arith.constant 313 : i32
    %ge3A_162 = vector.broadcast %ge3A_161 : i32 to vector<16x1xi32>
    %ge3A_163 = arith.cmpi sge, %broadcast_in_dim3A_160, %ge3A_162 : vector<16x1xi32>
    %select_n3A_164 = arith.select %ge3A_163, %or3A_151, %select_n3A_148 : vector<16x1xi1>, vector<16x1xi32>
    %or3A_165 = arith.constant 8388608 : i32
    %or3A_166 = vector.broadcast %or3A_165 : i32 to vector<16x1xi32>
    %or3A_167 = arith.ori %select_n3A_164, %or3A_166 : vector<16x1xi32>
    %xor3A_168 = arith.constant -2147483648 : i32
    %xor3A_169 = vector.broadcast %xor3A_168 : i32 to vector<16x1xi32>
    %xor3A_170 = arith.xori %or3A_167, %xor3A_169 : vector<16x1xi32>
    %ge3A_171 = vector.broadcast %xor3A_170 : vector<16x1xi32> to vector<16x625xi32>
    %ge3A_172 = arith.cmpi sge, %select_n3A, %ge3A_171 : vector<16x625xi32>
    %convert_element_type3A_173 = arith.extui %ge3A_172 : vector<16x625xi1> to vector<16x625xi32>
    %reduce_sum3A_174 = arith.constant dense<0> : vector<16xi32>
    %reduce_sum3A_175 = vector.multi_reduction <add>, %convert_element_type3A_173, %reduce_sum3A_174 [1] : vector<16x625xi32> to vector<16xi32>
    %broadcast_in_dim3A_176 = vector.shape_cast %reduce_sum3A_175 : vector<16xi32> to vector<16x1xi32>
    %ge3A_177 = arith.constant 313 : i32
    %ge3A_178 = vector.broadcast %ge3A_177 : i32 to vector<16x1xi32>
    %ge3A_179 = arith.cmpi sge, %broadcast_in_dim3A_176, %ge3A_178 : vector<16x1xi32>
    %select_n3A_180 = arith.select %ge3A_179, %or3A_167, %select_n3A_164 : vector<16x1xi1>, vector<16x1xi32>
    %or3A_181 = arith.constant 4194304 : i32
    %or3A_182 = vector.broadcast %or3A_181 : i32 to vector<16x1xi32>
    %or3A_183 = arith.ori %select_n3A_180, %or3A_182 : vector<16x1xi32>
    %xor3A_184 = arith.constant -2147483648 : i32
    %xor3A_185 = vector.broadcast %xor3A_184 : i32 to vector<16x1xi32>
    %xor3A_186 = arith.xori %or3A_183, %xor3A_185 : vector<16x1xi32>
    %ge3A_187 = vector.broadcast %xor3A_186 : vector<16x1xi32> to vector<16x625xi32>
    %ge3A_188 = arith.cmpi sge, %select_n3A, %ge3A_187 : vector<16x625xi32>
    %convert_element_type3A_189 = arith.extui %ge3A_188 : vector<16x625xi1> to vector<16x625xi32>
    %reduce_sum3A_190 = arith.constant dense<0> : vector<16xi32>
    %reduce_sum3A_191 = vector.multi_reduction <add>, %convert_element_type3A_189, %reduce_sum3A_190 [1] : vector<16x625xi32> to vector<16xi32>
    %broadcast_in_dim3A_192 = vector.shape_cast %reduce_sum3A_191 : vector<16xi32> to vector<16x1xi32>
    %ge3A_193 = arith.constant 313 : i32
    %ge3A_194 = vector.broadcast %ge3A_193 : i32 to vector<16x1xi32>
    %ge3A_195 = arith.cmpi sge, %broadcast_in_dim3A_192, %ge3A_194 : vector<16x1xi32>
    %select_n3A_196 = arith.select %ge3A_195, %or3A_183, %select_n3A_180 : vector<16x1xi1>, vector<16x1xi32>
    %or3A_197 = arith.constant 2097152 : i32
    %or3A_198 = vector.broadcast %or3A_197 : i32 to vector<16x1xi32>
    %or3A_199 = arith.ori %select_n3A_196, %or3A_198 : vector<16x1xi32>
    %xor3A_200 = arith.constant -2147483648 : i32
    %xor3A_201 = vector.broadcast %xor3A_200 : i32 to vector<16x1xi32>
    %xor3A_202 = arith.xori %or3A_199, %xor3A_201 : vector<16x1xi32>
    %ge3A_203 = vector.broadcast %xor3A_202 : vector<16x1xi32> to vector<16x625xi32>
    %ge3A_204 = arith.cmpi sge, %select_n3A, %ge3A_203 : vector<16x625xi32>
    %convert_element_type3A_205 = arith.extui %ge3A_204 : vector<16x625xi1> to vector<16x625xi32>
    %reduce_sum3A_206 = arith.constant dense<0> : vector<16xi32>
    %reduce_sum3A_207 = vector.multi_reduction <add>, %convert_element_type3A_205, %reduce_sum3A_206 [1] : vector<16x625xi32> to vector<16xi32>
    %broadcast_in_dim3A_208 = vector.shape_cast %reduce_sum3A_207 : vector<16xi32> to vector<16x1xi32>
    %ge3A_209 = arith.constant 313 : i32
    %ge3A_210 = vector.broadcast %ge3A_209 : i32 to vector<16x1xi32>
    %ge3A_211 = arith.cmpi sge, %broadcast_in_dim3A_208, %ge3A_210 : vector<16x1xi32>
    %select_n3A_212 = arith.select %ge3A_211, %or3A_199, %select_n3A_196 : vector<16x1xi1>, vector<16x1xi32>
    %or3A_213 = arith.constant 1048576 : i32
    %or3A_214 = vector.broadcast %or3A_213 : i32 to vector<16x1xi32>
    %or3A_215 = arith.ori %select_n3A_212, %or3A_214 : vector<16x1xi32>
    %xor3A_216 = arith.constant -2147483648 : i32
    %xor3A_217 = vector.broadcast %xor3A_216 : i32 to vector<16x1xi32>
    %xor3A_218 = arith.xori %or3A_215, %xor3A_217 : vector<16x1xi32>
    %ge3A_219 = vector.broadcast %xor3A_218 : vector<16x1xi32> to vector<16x625xi32>
    %ge3A_220 = arith.cmpi sge, %select_n3A, %ge3A_219 : vector<16x625xi32>
    %convert_element_type3A_221 = arith.extui %ge3A_220 : vector<16x625xi1> to vector<16x625xi32>
    %reduce_sum3A_222 = arith.constant dense<0> : vector<16xi32>
    %reduce_sum3A_223 = vector.multi_reduction <add>, %convert_element_type3A_221, %reduce_sum3A_222 [1] : vector<16x625xi32> to vector<16xi32>
    %broadcast_in_dim3A_224 = vector.shape_cast %reduce_sum3A_223 : vector<16xi32> to vector<16x1xi32>
    %ge3A_225 = arith.constant 313 : i32
    %ge3A_226 = vector.broadcast %ge3A_225 : i32 to vector<16x1xi32>
    %ge3A_227 = arith.cmpi sge, %broadcast_in_dim3A_224, %ge3A_226 : vector<16x1xi32>
    %select_n3A_228 = arith.select %ge3A_227, %or3A_215, %select_n3A_212 : vector<16x1xi1>, vector<16x1xi32>
    %or3A_229 = arith.constant 524288 : i32
    %or3A_230 = vector.broadcast %or3A_229 : i32 to vector<16x1xi32>
    %or3A_231 = arith.ori %select_n3A_228, %or3A_230 : vector<16x1xi32>
    %xor3A_232 = arith.constant -2147483648 : i32
    %xor3A_233 = vector.broadcast %xor3A_232 : i32 to vector<16x1xi32>
    %xor3A_234 = arith.xori %or3A_231, %xor3A_233 : vector<16x1xi32>
    %ge3A_235 = vector.broadcast %xor3A_234 : vector<16x1xi32> to vector<16x625xi32>
    %ge3A_236 = arith.cmpi sge, %select_n3A, %ge3A_235 : vector<16x625xi32>
    %convert_element_type3A_237 = arith.extui %ge3A_236 : vector<16x625xi1> to vector<16x625xi32>
    %reduce_sum3A_238 = arith.constant dense<0> : vector<16xi32>
    %reduce_sum3A_239 = vector.multi_reduction <add>, %convert_element_type3A_237, %reduce_sum3A_238 [1] : vector<16x625xi32> to vector<16xi32>
    %broadcast_in_dim3A_240 = vector.shape_cast %reduce_sum3A_239 : vector<16xi32> to vector<16x1xi32>
    %ge3A_241 = arith.constant 313 : i32
    %ge3A_242 = vector.broadcast %ge3A_241 : i32 to vector<16x1xi32>
    %ge3A_243 = arith.cmpi sge, %broadcast_in_dim3A_240, %ge3A_242 : vector<16x1xi32>
    %select_n3A_244 = arith.select %ge3A_243, %or3A_231, %select_n3A_228 : vector<16x1xi1>, vector<16x1xi32>
    %or3A_245 = arith.constant 262144 : i32
    %or3A_246 = vector.broadcast %or3A_245 : i32 to vector<16x1xi32>
    %or3A_247 = arith.ori %select_n3A_244, %or3A_246 : vector<16x1xi32>
    %xor3A_248 = arith.constant -2147483648 : i32
    %xor3A_249 = vector.broadcast %xor3A_248 : i32 to vector<16x1xi32>
    %xor3A_250 = arith.xori %or3A_247, %xor3A_249 : vector<16x1xi32>
    %ge3A_251 = vector.broadcast %xor3A_250 : vector<16x1xi32> to vector<16x625xi32>
    %ge3A_252 = arith.cmpi sge, %select_n3A, %ge3A_251 : vector<16x625xi32>
    %convert_element_type3A_253 = arith.extui %ge3A_252 : vector<16x625xi1> to vector<16x625xi32>
    %reduce_sum3A_254 = arith.constant dense<0> : vector<16xi32>
    %reduce_sum3A_255 = vector.multi_reduction <add>, %convert_element_type3A_253, %reduce_sum3A_254 [1] : vector<16x625xi32> to vector<16xi32>
    %broadcast_in_dim3A_256 = vector.shape_cast %reduce_sum3A_255 : vector<16xi32> to vector<16x1xi32>
    %ge3A_257 = arith.constant 313 : i32
    %ge3A_258 = vector.broadcast %ge3A_257 : i32 to vector<16x1xi32>
    %ge3A_259 = arith.cmpi sge, %broadcast_in_dim3A_256, %ge3A_258 : vector<16x1xi32>
    %select_n3A_260 = arith.select %ge3A_259, %or3A_247, %select_n3A_244 : vector<16x1xi1>, vector<16x1xi32>
    %or3A_261 = arith.constant 131072 : i32
    %or3A_262 = vector.broadcast %or3A_261 : i32 to vector<16x1xi32>
    %or3A_263 = arith.ori %select_n3A_260, %or3A_262 : vector<16x1xi32>
    %xor3A_264 = arith.constant -2147483648 : i32
    %xor3A_265 = vector.broadcast %xor3A_264 : i32 to vector<16x1xi32>
    %xor3A_266 = arith.xori %or3A_263, %xor3A_265 : vector<16x1xi32>
    %ge3A_267 = vector.broadcast %xor3A_266 : vector<16x1xi32> to vector<16x625xi32>
    %ge3A_268 = arith.cmpi sge, %select_n3A, %ge3A_267 : vector<16x625xi32>
    %convert_element_type3A_269 = arith.extui %ge3A_268 : vector<16x625xi1> to vector<16x625xi32>
    %reduce_sum3A_270 = arith.constant dense<0> : vector<16xi32>
    %reduce_sum3A_271 = vector.multi_reduction <add>, %convert_element_type3A_269, %reduce_sum3A_270 [1] : vector<16x625xi32> to vector<16xi32>
    %broadcast_in_dim3A_272 = vector.shape_cast %reduce_sum3A_271 : vector<16xi32> to vector<16x1xi32>
    %ge3A_273 = arith.constant 313 : i32
    %ge3A_274 = vector.broadcast %ge3A_273 : i32 to vector<16x1xi32>
    %ge3A_275 = arith.cmpi sge, %broadcast_in_dim3A_272, %ge3A_274 : vector<16x1xi32>
    %select_n3A_276 = arith.select %ge3A_275, %or3A_263, %select_n3A_260 : vector<16x1xi1>, vector<16x1xi32>
    %or3A_277 = arith.constant 65536 : i32
    %or3A_278 = vector.broadcast %or3A_277 : i32 to vector<16x1xi32>
    %or3A_279 = arith.ori %select_n3A_276, %or3A_278 : vector<16x1xi32>
    %xor3A_280 = arith.constant -2147483648 : i32
    %xor3A_281 = vector.broadcast %xor3A_280 : i32 to vector<16x1xi32>
    %xor3A_282 = arith.xori %or3A_279, %xor3A_281 : vector<16x1xi32>
    %ge3A_283 = vector.broadcast %xor3A_282 : vector<16x1xi32> to vector<16x625xi32>
    %ge3A_284 = arith.cmpi sge, %select_n3A, %ge3A_283 : vector<16x625xi32>
    %convert_element_type3A_285 = arith.extui %ge3A_284 : vector<16x625xi1> to vector<16x625xi32>
    %reduce_sum3A_286 = arith.constant dense<0> : vector<16xi32>
    %reduce_sum3A_287 = vector.multi_reduction <add>, %convert_element_type3A_285, %reduce_sum3A_286 [1] : vector<16x625xi32> to vector<16xi32>
    %broadcast_in_dim3A_288 = vector.shape_cast %reduce_sum3A_287 : vector<16xi32> to vector<16x1xi32>
    %ge3A_289 = arith.constant 313 : i32
    %ge3A_290 = vector.broadcast %ge3A_289 : i32 to vector<16x1xi32>
    %ge3A_291 = arith.cmpi sge, %broadcast_in_dim3A_288, %ge3A_290 : vector<16x1xi32>
    %select_n3A_292 = arith.select %ge3A_291, %or3A_279, %select_n3A_276 : vector<16x1xi1>, vector<16x1xi32>
    %or3A_293 = arith.constant 32768 : i32
    %or3A_294 = vector.broadcast %or3A_293 : i32 to vector<16x1xi32>
    %or3A_295 = arith.ori %select_n3A_292, %or3A_294 : vector<16x1xi32>
    %xor3A_296 = arith.constant -2147483648 : i32
    %xor3A_297 = vector.broadcast %xor3A_296 : i32 to vector<16x1xi32>
    %xor3A_298 = arith.xori %or3A_295, %xor3A_297 : vector<16x1xi32>
    %ge3A_299 = vector.broadcast %xor3A_298 : vector<16x1xi32> to vector<16x625xi32>
    %ge3A_300 = arith.cmpi sge, %select_n3A, %ge3A_299 : vector<16x625xi32>
    %convert_element_type3A_301 = arith.extui %ge3A_300 : vector<16x625xi1> to vector<16x625xi32>
    %reduce_sum3A_302 = arith.constant dense<0> : vector<16xi32>
    %reduce_sum3A_303 = vector.multi_reduction <add>, %convert_element_type3A_301, %reduce_sum3A_302 [1] : vector<16x625xi32> to vector<16xi32>
    %broadcast_in_dim3A_304 = vector.shape_cast %reduce_sum3A_303 : vector<16xi32> to vector<16x1xi32>
    %ge3A_305 = arith.constant 313 : i32
    %ge3A_306 = vector.broadcast %ge3A_305 : i32 to vector<16x1xi32>
    %ge3A_307 = arith.cmpi sge, %broadcast_in_dim3A_304, %ge3A_306 : vector<16x1xi32>
    %select_n3A_308 = arith.select %ge3A_307, %or3A_295, %select_n3A_292 : vector<16x1xi1>, vector<16x1xi32>
    %or3A_309 = arith.constant 16384 : i32
    %or3A_310 = vector.broadcast %or3A_309 : i32 to vector<16x1xi32>
    %or3A_311 = arith.ori %select_n3A_308, %or3A_310 : vector<16x1xi32>
    %xor3A_312 = arith.constant -2147483648 : i32
    %xor3A_313 = vector.broadcast %xor3A_312 : i32 to vector<16x1xi32>
    %xor3A_314 = arith.xori %or3A_311, %xor3A_313 : vector<16x1xi32>
    %ge3A_315 = vector.broadcast %xor3A_314 : vector<16x1xi32> to vector<16x625xi32>
    %ge3A_316 = arith.cmpi sge, %select_n3A, %ge3A_315 : vector<16x625xi32>
    %convert_element_type3A_317 = arith.extui %ge3A_316 : vector<16x625xi1> to vector<16x625xi32>
    %reduce_sum3A_318 = arith.constant dense<0> : vector<16xi32>
    %reduce_sum3A_319 = vector.multi_reduction <add>, %convert_element_type3A_317, %reduce_sum3A_318 [1] : vector<16x625xi32> to vector<16xi32>
    %broadcast_in_dim3A_320 = vector.shape_cast %reduce_sum3A_319 : vector<16xi32> to vector<16x1xi32>
    %ge3A_321 = arith.constant 313 : i32
    %ge3A_322 = vector.broadcast %ge3A_321 : i32 to vector<16x1xi32>
    %ge3A_323 = arith.cmpi sge, %broadcast_in_dim3A_320, %ge3A_322 : vector<16x1xi32>
    %select_n3A_324 = arith.select %ge3A_323, %or3A_311, %select_n3A_308 : vector<16x1xi1>, vector<16x1xi32>
    %or3A_325 = arith.constant 8192 : i32
    %or3A_326 = vector.broadcast %or3A_325 : i32 to vector<16x1xi32>
    %or3A_327 = arith.ori %select_n3A_324, %or3A_326 : vector<16x1xi32>
    %xor3A_328 = arith.constant -2147483648 : i32
    %xor3A_329 = vector.broadcast %xor3A_328 : i32 to vector<16x1xi32>
    %xor3A_330 = arith.xori %or3A_327, %xor3A_329 : vector<16x1xi32>
    %ge3A_331 = vector.broadcast %xor3A_330 : vector<16x1xi32> to vector<16x625xi32>
    %ge3A_332 = arith.cmpi sge, %select_n3A, %ge3A_331 : vector<16x625xi32>
    %convert_element_type3A_333 = arith.extui %ge3A_332 : vector<16x625xi1> to vector<16x625xi32>
    %reduce_sum3A_334 = arith.constant dense<0> : vector<16xi32>
    %reduce_sum3A_335 = vector.multi_reduction <add>, %convert_element_type3A_333, %reduce_sum3A_334 [1] : vector<16x625xi32> to vector<16xi32>
    %broadcast_in_dim3A_336 = vector.shape_cast %reduce_sum3A_335 : vector<16xi32> to vector<16x1xi32>
    %ge3A_337 = arith.constant 313 : i32
    %ge3A_338 = vector.broadcast %ge3A_337 : i32 to vector<16x1xi32>
    %ge3A_339 = arith.cmpi sge, %broadcast_in_dim3A_336, %ge3A_338 : vector<16x1xi32>
    %select_n3A_340 = arith.select %ge3A_339, %or3A_327, %select_n3A_324 : vector<16x1xi1>, vector<16x1xi32>
    %or3A_341 = arith.constant 4096 : i32
    %or3A_342 = vector.broadcast %or3A_341 : i32 to vector<16x1xi32>
    %or3A_343 = arith.ori %select_n3A_340, %or3A_342 : vector<16x1xi32>
    %xor3A_344 = arith.constant -2147483648 : i32
    %xor3A_345 = vector.broadcast %xor3A_344 : i32 to vector<16x1xi32>
    %xor3A_346 = arith.xori %or3A_343, %xor3A_345 : vector<16x1xi32>
    %ge3A_347 = vector.broadcast %xor3A_346 : vector<16x1xi32> to vector<16x625xi32>
    %ge3A_348 = arith.cmpi sge, %select_n3A, %ge3A_347 : vector<16x625xi32>
    %convert_element_type3A_349 = arith.extui %ge3A_348 : vector<16x625xi1> to vector<16x625xi32>
    %reduce_sum3A_350 = arith.constant dense<0> : vector<16xi32>
    %reduce_sum3A_351 = vector.multi_reduction <add>, %convert_element_type3A_349, %reduce_sum3A_350 [1] : vector<16x625xi32> to vector<16xi32>
    %broadcast_in_dim3A_352 = vector.shape_cast %reduce_sum3A_351 : vector<16xi32> to vector<16x1xi32>
    %ge3A_353 = arith.constant 313 : i32
    %ge3A_354 = vector.broadcast %ge3A_353 : i32 to vector<16x1xi32>
    %ge3A_355 = arith.cmpi sge, %broadcast_in_dim3A_352, %ge3A_354 : vector<16x1xi32>
    %select_n3A_356 = arith.select %ge3A_355, %or3A_343, %select_n3A_340 : vector<16x1xi1>, vector<16x1xi32>
    %or3A_357 = arith.constant 2048 : i32
    %or3A_358 = vector.broadcast %or3A_357 : i32 to vector<16x1xi32>
    %or3A_359 = arith.ori %select_n3A_356, %or3A_358 : vector<16x1xi32>
    %xor3A_360 = arith.constant -2147483648 : i32
    %xor3A_361 = vector.broadcast %xor3A_360 : i32 to vector<16x1xi32>
    %xor3A_362 = arith.xori %or3A_359, %xor3A_361 : vector<16x1xi32>
    %ge3A_363 = vector.broadcast %xor3A_362 : vector<16x1xi32> to vector<16x625xi32>
    %ge3A_364 = arith.cmpi sge, %select_n3A, %ge3A_363 : vector<16x625xi32>
    %convert_element_type3A_365 = arith.extui %ge3A_364 : vector<16x625xi1> to vector<16x625xi32>
    %reduce_sum3A_366 = arith.constant dense<0> : vector<16xi32>
    %reduce_sum3A_367 = vector.multi_reduction <add>, %convert_element_type3A_365, %reduce_sum3A_366 [1] : vector<16x625xi32> to vector<16xi32>
    %broadcast_in_dim3A_368 = vector.shape_cast %reduce_sum3A_367 : vector<16xi32> to vector<16x1xi32>
    %ge3A_369 = arith.constant 313 : i32
    %ge3A_370 = vector.broadcast %ge3A_369 : i32 to vector<16x1xi32>
    %ge3A_371 = arith.cmpi sge, %broadcast_in_dim3A_368, %ge3A_370 : vector<16x1xi32>
    %select_n3A_372 = arith.select %ge3A_371, %or3A_359, %select_n3A_356 : vector<16x1xi1>, vector<16x1xi32>
    %or3A_373 = arith.constant 1024 : i32
    %or3A_374 = vector.broadcast %or3A_373 : i32 to vector<16x1xi32>
    %or3A_375 = arith.ori %select_n3A_372, %or3A_374 : vector<16x1xi32>
    %xor3A_376 = arith.constant -2147483648 : i32
    %xor3A_377 = vector.broadcast %xor3A_376 : i32 to vector<16x1xi32>
    %xor3A_378 = arith.xori %or3A_375, %xor3A_377 : vector<16x1xi32>
    %ge3A_379 = vector.broadcast %xor3A_378 : vector<16x1xi32> to vector<16x625xi32>
    %ge3A_380 = arith.cmpi sge, %select_n3A, %ge3A_379 : vector<16x625xi32>
    %convert_element_type3A_381 = arith.extui %ge3A_380 : vector<16x625xi1> to vector<16x625xi32>
    %reduce_sum3A_382 = arith.constant dense<0> : vector<16xi32>
    %reduce_sum3A_383 = vector.multi_reduction <add>, %convert_element_type3A_381, %reduce_sum3A_382 [1] : vector<16x625xi32> to vector<16xi32>
    %broadcast_in_dim3A_384 = vector.shape_cast %reduce_sum3A_383 : vector<16xi32> to vector<16x1xi32>
    %ge3A_385 = arith.constant 313 : i32
    %ge3A_386 = vector.broadcast %ge3A_385 : i32 to vector<16x1xi32>
    %ge3A_387 = arith.cmpi sge, %broadcast_in_dim3A_384, %ge3A_386 : vector<16x1xi32>
    %select_n3A_388 = arith.select %ge3A_387, %or3A_375, %select_n3A_372 : vector<16x1xi1>, vector<16x1xi32>
    %or3A_389 = arith.constant 512 : i32
    %or3A_390 = vector.broadcast %or3A_389 : i32 to vector<16x1xi32>
    %or3A_391 = arith.ori %select_n3A_388, %or3A_390 : vector<16x1xi32>
    %xor3A_392 = arith.constant -2147483648 : i32
    %xor3A_393 = vector.broadcast %xor3A_392 : i32 to vector<16x1xi32>
    %xor3A_394 = arith.xori %or3A_391, %xor3A_393 : vector<16x1xi32>
    %ge3A_395 = vector.broadcast %xor3A_394 : vector<16x1xi32> to vector<16x625xi32>
    %ge3A_396 = arith.cmpi sge, %select_n3A, %ge3A_395 : vector<16x625xi32>
    %convert_element_type3A_397 = arith.extui %ge3A_396 : vector<16x625xi1> to vector<16x625xi32>
    %reduce_sum3A_398 = arith.constant dense<0> : vector<16xi32>
    %reduce_sum3A_399 = vector.multi_reduction <add>, %convert_element_type3A_397, %reduce_sum3A_398 [1] : vector<16x625xi32> to vector<16xi32>
    %broadcast_in_dim3A_400 = vector.shape_cast %reduce_sum3A_399 : vector<16xi32> to vector<16x1xi32>
    %ge3A_401 = arith.constant 313 : i32
    %ge3A_402 = vector.broadcast %ge3A_401 : i32 to vector<16x1xi32>
    %ge3A_403 = arith.cmpi sge, %broadcast_in_dim3A_400, %ge3A_402 : vector<16x1xi32>
    %select_n3A_404 = arith.select %ge3A_403, %or3A_391, %select_n3A_388 : vector<16x1xi1>, vector<16x1xi32>
    %or3A_405 = arith.constant 256 : i32
    %or3A_406 = vector.broadcast %or3A_405 : i32 to vector<16x1xi32>
    %or3A_407 = arith.ori %select_n3A_404, %or3A_406 : vector<16x1xi32>
    %xor3A_408 = arith.constant -2147483648 : i32
    %xor3A_409 = vector.broadcast %xor3A_408 : i32 to vector<16x1xi32>
    %xor3A_410 = arith.xori %or3A_407, %xor3A_409 : vector<16x1xi32>
    %ge3A_411 = vector.broadcast %xor3A_410 : vector<16x1xi32> to vector<16x625xi32>
    %ge3A_412 = arith.cmpi sge, %select_n3A, %ge3A_411 : vector<16x625xi32>
    %convert_element_type3A_413 = arith.extui %ge3A_412 : vector<16x625xi1> to vector<16x625xi32>
    %reduce_sum3A_414 = arith.constant dense<0> : vector<16xi32>
    %reduce_sum3A_415 = vector.multi_reduction <add>, %convert_element_type3A_413, %reduce_sum3A_414 [1] : vector<16x625xi32> to vector<16xi32>
    %broadcast_in_dim3A_416 = vector.shape_cast %reduce_sum3A_415 : vector<16xi32> to vector<16x1xi32>
    %ge3A_417 = arith.constant 313 : i32
    %ge3A_418 = vector.broadcast %ge3A_417 : i32 to vector<16x1xi32>
    %ge3A_419 = arith.cmpi sge, %broadcast_in_dim3A_416, %ge3A_418 : vector<16x1xi32>
    %select_n3A_420 = arith.select %ge3A_419, %or3A_407, %select_n3A_404 : vector<16x1xi1>, vector<16x1xi32>
    %or3A_421 = arith.constant 128 : i32
    %or3A_422 = vector.broadcast %or3A_421 : i32 to vector<16x1xi32>
    %or3A_423 = arith.ori %select_n3A_420, %or3A_422 : vector<16x1xi32>
    %xor3A_424 = arith.constant -2147483648 : i32
    %xor3A_425 = vector.broadcast %xor3A_424 : i32 to vector<16x1xi32>
    %xor3A_426 = arith.xori %or3A_423, %xor3A_425 : vector<16x1xi32>
    %ge3A_427 = vector.broadcast %xor3A_426 : vector<16x1xi32> to vector<16x625xi32>
    %ge3A_428 = arith.cmpi sge, %select_n3A, %ge3A_427 : vector<16x625xi32>
    %convert_element_type3A_429 = arith.extui %ge3A_428 : vector<16x625xi1> to vector<16x625xi32>
    %reduce_sum3A_430 = arith.constant dense<0> : vector<16xi32>
    %reduce_sum3A_431 = vector.multi_reduction <add>, %convert_element_type3A_429, %reduce_sum3A_430 [1] : vector<16x625xi32> to vector<16xi32>
    %broadcast_in_dim3A_432 = vector.shape_cast %reduce_sum3A_431 : vector<16xi32> to vector<16x1xi32>
    %ge3A_433 = arith.constant 313 : i32
    %ge3A_434 = vector.broadcast %ge3A_433 : i32 to vector<16x1xi32>
    %ge3A_435 = arith.cmpi sge, %broadcast_in_dim3A_432, %ge3A_434 : vector<16x1xi32>
    %select_n3A_436 = arith.select %ge3A_435, %or3A_423, %select_n3A_420 : vector<16x1xi1>, vector<16x1xi32>
    %or3A_437 = arith.constant 64 : i32
    %or3A_438 = vector.broadcast %or3A_437 : i32 to vector<16x1xi32>
    %or3A_439 = arith.ori %select_n3A_436, %or3A_438 : vector<16x1xi32>
    %xor3A_440 = arith.constant -2147483648 : i32
    %xor3A_441 = vector.broadcast %xor3A_440 : i32 to vector<16x1xi32>
    %xor3A_442 = arith.xori %or3A_439, %xor3A_441 : vector<16x1xi32>
    %ge3A_443 = vector.broadcast %xor3A_442 : vector<16x1xi32> to vector<16x625xi32>
    %ge3A_444 = arith.cmpi sge, %select_n3A, %ge3A_443 : vector<16x625xi32>
    %convert_element_type3A_445 = arith.extui %ge3A_444 : vector<16x625xi1> to vector<16x625xi32>
    %reduce_sum3A_446 = arith.constant dense<0> : vector<16xi32>
    %reduce_sum3A_447 = vector.multi_reduction <add>, %convert_element_type3A_445, %reduce_sum3A_446 [1] : vector<16x625xi32> to vector<16xi32>
    %broadcast_in_dim3A_448 = vector.shape_cast %reduce_sum3A_447 : vector<16xi32> to vector<16x1xi32>
    %ge3A_449 = arith.constant 313 : i32
    %ge3A_450 = vector.broadcast %ge3A_449 : i32 to vector<16x1xi32>
    %ge3A_451 = arith.cmpi sge, %broadcast_in_dim3A_448, %ge3A_450 : vector<16x1xi32>
    %select_n3A_452 = arith.select %ge3A_451, %or3A_439, %select_n3A_436 : vector<16x1xi1>, vector<16x1xi32>
    %or3A_453 = arith.constant 32 : i32
    %or3A_454 = vector.broadcast %or3A_453 : i32 to vector<16x1xi32>
    %or3A_455 = arith.ori %select_n3A_452, %or3A_454 : vector<16x1xi32>
    %xor3A_456 = arith.constant -2147483648 : i32
    %xor3A_457 = vector.broadcast %xor3A_456 : i32 to vector<16x1xi32>
    %xor3A_458 = arith.xori %or3A_455, %xor3A_457 : vector<16x1xi32>
    %ge3A_459 = vector.broadcast %xor3A_458 : vector<16x1xi32> to vector<16x625xi32>
    %ge3A_460 = arith.cmpi sge, %select_n3A, %ge3A_459 : vector<16x625xi32>
    %convert_element_type3A_461 = arith.extui %ge3A_460 : vector<16x625xi1> to vector<16x625xi32>
    %reduce_sum3A_462 = arith.constant dense<0> : vector<16xi32>
    %reduce_sum3A_463 = vector.multi_reduction <add>, %convert_element_type3A_461, %reduce_sum3A_462 [1] : vector<16x625xi32> to vector<16xi32>
    %broadcast_in_dim3A_464 = vector.shape_cast %reduce_sum3A_463 : vector<16xi32> to vector<16x1xi32>
    %ge3A_465 = arith.constant 313 : i32
    %ge3A_466 = vector.broadcast %ge3A_465 : i32 to vector<16x1xi32>
    %ge3A_467 = arith.cmpi sge, %broadcast_in_dim3A_464, %ge3A_466 : vector<16x1xi32>
    %select_n3A_468 = arith.select %ge3A_467, %or3A_455, %select_n3A_452 : vector<16x1xi1>, vector<16x1xi32>
    %or3A_469 = arith.constant 16 : i32
    %or3A_470 = vector.broadcast %or3A_469 : i32 to vector<16x1xi32>
    %or3A_471 = arith.ori %select_n3A_468, %or3A_470 : vector<16x1xi32>
    %xor3A_472 = arith.constant -2147483648 : i32
    %xor3A_473 = vector.broadcast %xor3A_472 : i32 to vector<16x1xi32>
    %xor3A_474 = arith.xori %or3A_471, %xor3A_473 : vector<16x1xi32>
    %ge3A_475 = vector.broadcast %xor3A_474 : vector<16x1xi32> to vector<16x625xi32>
    %ge3A_476 = arith.cmpi sge, %select_n3A, %ge3A_475 : vector<16x625xi32>
    %convert_element_type3A_477 = arith.extui %ge3A_476 : vector<16x625xi1> to vector<16x625xi32>
    %reduce_sum3A_478 = arith.constant dense<0> : vector<16xi32>
    %reduce_sum3A_479 = vector.multi_reduction <add>, %convert_element_type3A_477, %reduce_sum3A_478 [1] : vector<16x625xi32> to vector<16xi32>
    %broadcast_in_dim3A_480 = vector.shape_cast %reduce_sum3A_479 : vector<16xi32> to vector<16x1xi32>
    %ge3A_481 = arith.constant 313 : i32
    %ge3A_482 = vector.broadcast %ge3A_481 : i32 to vector<16x1xi32>
    %ge3A_483 = arith.cmpi sge, %broadcast_in_dim3A_480, %ge3A_482 : vector<16x1xi32>
    %select_n3A_484 = arith.select %ge3A_483, %or3A_471, %select_n3A_468 : vector<16x1xi1>, vector<16x1xi32>
    %or3A_485 = arith.constant 8 : i32
    %or3A_486 = vector.broadcast %or3A_485 : i32 to vector<16x1xi32>
    %or3A_487 = arith.ori %select_n3A_484, %or3A_486 : vector<16x1xi32>
    %xor3A_488 = arith.constant -2147483648 : i32
    %xor3A_489 = vector.broadcast %xor3A_488 : i32 to vector<16x1xi32>
    %xor3A_490 = arith.xori %or3A_487, %xor3A_489 : vector<16x1xi32>
    %ge3A_491 = vector.broadcast %xor3A_490 : vector<16x1xi32> to vector<16x625xi32>
    %ge3A_492 = arith.cmpi sge, %select_n3A, %ge3A_491 : vector<16x625xi32>
    %convert_element_type3A_493 = arith.extui %ge3A_492 : vector<16x625xi1> to vector<16x625xi32>
    %reduce_sum3A_494 = arith.constant dense<0> : vector<16xi32>
    %reduce_sum3A_495 = vector.multi_reduction <add>, %convert_element_type3A_493, %reduce_sum3A_494 [1] : vector<16x625xi32> to vector<16xi32>
    %broadcast_in_dim3A_496 = vector.shape_cast %reduce_sum3A_495 : vector<16xi32> to vector<16x1xi32>
    %ge3A_497 = arith.constant 313 : i32
    %ge3A_498 = vector.broadcast %ge3A_497 : i32 to vector<16x1xi32>
    %ge3A_499 = arith.cmpi sge, %broadcast_in_dim3A_496, %ge3A_498 : vector<16x1xi32>
    %select_n3A_500 = arith.select %ge3A_499, %or3A_487, %select_n3A_484 : vector<16x1xi1>, vector<16x1xi32>
    %or3A_501 = arith.constant 4 : i32
    %or3A_502 = vector.broadcast %or3A_501 : i32 to vector<16x1xi32>
    %or3A_503 = arith.ori %select_n3A_500, %or3A_502 : vector<16x1xi32>
    %xor3A_504 = arith.constant -2147483648 : i32
    %xor3A_505 = vector.broadcast %xor3A_504 : i32 to vector<16x1xi32>
    %xor3A_506 = arith.xori %or3A_503, %xor3A_505 : vector<16x1xi32>
    %ge3A_507 = vector.broadcast %xor3A_506 : vector<16x1xi32> to vector<16x625xi32>
    %ge3A_508 = arith.cmpi sge, %select_n3A, %ge3A_507 : vector<16x625xi32>
    %convert_element_type3A_509 = arith.extui %ge3A_508 : vector<16x625xi1> to vector<16x625xi32>
    %reduce_sum3A_510 = arith.constant dense<0> : vector<16xi32>
    %reduce_sum3A_511 = vector.multi_reduction <add>, %convert_element_type3A_509, %reduce_sum3A_510 [1] : vector<16x625xi32> to vector<16xi32>
    %broadcast_in_dim3A_512 = vector.shape_cast %reduce_sum3A_511 : vector<16xi32> to vector<16x1xi32>
    %ge3A_513 = arith.constant 313 : i32
    %ge3A_514 = vector.broadcast %ge3A_513 : i32 to vector<16x1xi32>
    %ge3A_515 = arith.cmpi sge, %broadcast_in_dim3A_512, %ge3A_514 : vector<16x1xi32>
    %select_n3A_516 = arith.select %ge3A_515, %or3A_503, %select_n3A_500 : vector<16x1xi1>, vector<16x1xi32>
    %or3A_517 = arith.constant 2 : i32
    %or3A_518 = vector.broadcast %or3A_517 : i32 to vector<16x1xi32>
    %or3A_519 = arith.ori %select_n3A_516, %or3A_518 : vector<16x1xi32>
    %xor3A_520 = arith.constant -2147483648 : i32
    %xor3A_521 = vector.broadcast %xor3A_520 : i32 to vector<16x1xi32>
    %xor3A_522 = arith.xori %or3A_519, %xor3A_521 : vector<16x1xi32>
    %ge3A_523 = vector.broadcast %xor3A_522 : vector<16x1xi32> to vector<16x625xi32>
    %ge3A_524 = arith.cmpi sge, %select_n3A, %ge3A_523 : vector<16x625xi32>
    %convert_element_type3A_525 = arith.extui %ge3A_524 : vector<16x625xi1> to vector<16x625xi32>
    %reduce_sum3A_526 = arith.constant dense<0> : vector<16xi32>
    %reduce_sum3A_527 = vector.multi_reduction <add>, %convert_element_type3A_525, %reduce_sum3A_526 [1] : vector<16x625xi32> to vector<16xi32>
    %broadcast_in_dim3A_528 = vector.shape_cast %reduce_sum3A_527 : vector<16xi32> to vector<16x1xi32>
    %ge3A_529 = arith.constant 313 : i32
    %ge3A_530 = vector.broadcast %ge3A_529 : i32 to vector<16x1xi32>
    %ge3A_531 = arith.cmpi sge, %broadcast_in_dim3A_528, %ge3A_530 : vector<16x1xi32>
    %select_n3A_532 = arith.select %ge3A_531, %or3A_519, %select_n3A_516 : vector<16x1xi1>, vector<16x1xi32>
    %or3A_533 = arith.constant 1 : i32
    %or3A_534 = vector.broadcast %or3A_533 : i32 to vector<16x1xi32>
    %or3A_535 = arith.ori %select_n3A_532, %or3A_534 : vector<16x1xi32>
    %xor3A_536 = arith.constant -2147483648 : i32
    %xor3A_537 = vector.broadcast %xor3A_536 : i32 to vector<16x1xi32>
    %xor3A_538 = arith.xori %or3A_535, %xor3A_537 : vector<16x1xi32>
    %ge3A_539 = vector.broadcast %xor3A_538 : vector<16x1xi32> to vector<16x625xi32>
    %ge3A_540 = arith.cmpi sge, %select_n3A, %ge3A_539 : vector<16x625xi32>
    %convert_element_type3A_541 = arith.extui %ge3A_540 : vector<16x625xi1> to vector<16x625xi32>
    %reduce_sum3A_542 = arith.constant dense<0> : vector<16xi32>
    %reduce_sum3A_543 = vector.multi_reduction <add>, %convert_element_type3A_541, %reduce_sum3A_542 [1] : vector<16x625xi32> to vector<16xi32>
    %broadcast_in_dim3A_544 = vector.shape_cast %reduce_sum3A_543 : vector<16xi32> to vector<16x1xi32>
    %ge3A_545 = arith.constant 313 : i32
    %ge3A_546 = vector.broadcast %ge3A_545 : i32 to vector<16x1xi32>
    %ge3A_547 = arith.cmpi sge, %broadcast_in_dim3A_544, %ge3A_546 : vector<16x1xi32>
    %select_n3A_548 = arith.select %ge3A_547, %or3A_535, %select_n3A_532 : vector<16x1xi1>, vector<16x1xi32>
    %xor3A_549 = arith.constant -2147483648 : i32
    %xor3A_550 = vector.broadcast %xor3A_549 : i32 to vector<16x1xi32>
    %xor3A_551 = arith.xori %select_n3A_548, %xor3A_550 : vector<16x1xi32>
    %gt3A = vector.broadcast %xor3A_551 : vector<16x1xi32> to vector<16x625xi32>
    %gt3A_552 = arith.cmpi sgt, %select_n3A, %gt3A : vector<16x625xi32>
    %eq3A = vector.broadcast %xor3A_551 : vector<16x1xi32> to vector<16x625xi32>
    %eq3A_553 = arith.cmpi eq, %select_n3A, %eq3A : vector<16x625xi32>
    %convert_element_type3A_554 = arith.extui %gt3A_552 : vector<16x625xi1> to vector<16x625xi32>
    %reduce_sum3A_555 = arith.constant dense<0> : vector<16xi32>
    %reduce_sum3A_556 = vector.multi_reduction <add>, %convert_element_type3A_554, %reduce_sum3A_555 [1] : vector<16x625xi32> to vector<16xi32>
    %broadcast_in_dim3A_557 = vector.shape_cast %reduce_sum3A_556 : vector<16xi32> to vector<16x1xi32>
    %iota3A = tpu.iota {dimensions = array<i32: 0>} : vector<625x625xi32>
    %iota3A_558 = tpu.iota {dimensions = array<i32: 1>} : vector<625x625xi32>
    %le3A = arith.cmpi sle, %iota3A, %iota3A_558 : vector<625x625xi32>
    %convert_element_type3A_559 = arith.extui %le3A : vector<625x625xi1> to vector<625x625xi32>
    %convert_element_type3A_560 = arith.sitofp %convert_element_type3A_559 : vector<625x625xi32> to vector<625x625xf32>
    %convert_element_type3A_561 = arith.extui %eq3A_553 : vector<16x625xi1> to vector<16x625xi32>
    %convert_element_type3A_562 = arith.sitofp %convert_element_type3A_561 : vector<16x625xi32> to vector<16x625xf32>
    %dot_general3A = arith.constant dense<0.000000e+00> : vector<16x625xf32>
    %dot_general3A_563 = tpu.matmul %convert_element_type3A_562, %convert_element_type3A_560, %dot_general3A {dimension_numbers = #tpu.dot_dimension_numbers<[1], [0], [0], [1], [0, 0, 1, 1], [], []>, precision = #tpu.contract_precision<fp32>, transpose_lhs_hint = false} : vector<16x625xf32>, vector<625x625xf32>, vector<16x625xf32> -> vector<16x625xf32>
    %sub3A = arith.constant 313 : i32
    %sub3A_564 = vector.broadcast %sub3A : i32 to vector<16x1xi32>
    %sub3A_565 = arith.subi %sub3A_564, %broadcast_in_dim3A_557 : vector<16x1xi32>
    %convert_element_type3A_566 = arith.sitofp %sub3A_565 : vector<16x1xi32> to vector<16x1xf32>
    %le3A_567 = vector.broadcast %convert_element_type3A_566 : vector<16x1xf32> to vector<16x625xf32>
    %le3A_568 = arith.cmpf ole, %dot_general3A_563, %le3A_567 : vector<16x625xf32>
    %and3A = arith.andi %eq3A_553, %le3A_568 : vector<16x625xi1>
    %or3A_569 = arith.ori %gt3A_552, %and3A : vector<16x625xi1>
    %jit3A = arith.constant 0.000000e+00 : f32
    %broadcast_in_dim3A_570 = vector.broadcast %jit3A : f32 to vector<16x625xf32>
    %select_n3A_571 = arith.select %or3A_569, %tanh3A, %broadcast_in_dim3A_570 : vector<16x625xi1>, vector<16x625xf32>
    tpu.wait_dma2 semaphore(%arg6 : memref<!tpu.dma_semaphore, #tpu.memory_space<semaphore_mem>>) src(%arg0 : memref<16x625x128xf32, #tpu.memory_space<any>>) dst(%arg5 : memref<16x625x128xf32, #tpu.memory_space<vmem>>)
    %get3A_572 = arith.constant 0 : index
    %get3A_573 = arith.constant 0 : index
    %get3A_574 = arith.constant 0 : index
    %get3A_575 = vector.load %arg5[%get3A_572, %get3A_573, %get3A_574] : memref<16x625x128xf32, #tpu.memory_space<vmem>>, vector<16x625x128xf32>
    %dot_general3A_576 = arith.constant dense<0.000000e+00> : vector<16x128xf32>
    %dot_general3A_577 = tpu.matmul %select_n3A_571, %get3A_575, %dot_general3A_576 {dimension_numbers = #tpu.dot_dimension_numbers<[1], [1], [], [2], [0, 0, 1, 2], [0], [0]>, precision = #tpu.contract_precision<fp32>, transpose_lhs_hint = false} : vector<16x625xf32>, vector<16x625x128xf32>, vector<16x128xf32> -> vector<16x128xf32>
    %mul3A = arith.constant 0.00319488812 : f32
    %mul3A_578 = vector.broadcast %mul3A : f32 to vector<16x128xf32>
    %mul3A_579 = arith.mulf %dot_general3A_577, %mul3A_578 : vector<16x128xf32>
    %get3A_580 = arith.constant 0 : index
    %get3A_581 = arith.constant 0 : index
    %get3A_582 = vector.load %arg2[%get3A_580, %get3A_581] : memref<256x128xf32, #tpu.memory_space<vmem>>, vector<256x128xf32>
    %dot_general3A_583 = arith.constant dense<0.000000e+00> : vector<16x256xf32>
    %dot_general3A_584 = tpu.matmul %mul3A_579, %get3A_582, %dot_general3A_583 {dimension_numbers = #tpu.dot_dimension_numbers<[1], [1], [0], [0], [0, 0, 1, 0], [], []>, precision = #tpu.contract_precision<fp32>, transpose_lhs_hint = false} : vector<16x128xf32>, vector<256x128xf32>, vector<16x256xf32> -> vector<16x256xf32>
    %get3A_585 = arith.constant 0 : index
    %get3A_586 = vector.load %arg3[%get3A_585] : memref<256xf32, #tpu.memory_space<vmem>>, vector<256xf32>
    %reshape3A = vector.shape_cast %get3A_586 : vector<256xf32> to vector<1x256xf32>
    %add3A = vector.broadcast %reshape3A : vector<1x256xf32> to vector<16x256xf32>
    %add3A_587 = arith.addf %dot_general3A_584, %add3A : vector<16x256xf32>
    %swap3A = arith.constant 0 : index
    %swap3A_588 = arith.constant 0 : index
    %swap3A_589 = vector.load %arg4[%swap3A, %swap3A_588] : memref<16x256xf32, #tpu.memory_space<vmem>>, vector<16x256xf32>
    tpu.vector_store %arg4[%swap3A, %swap3A_588], %add3A_587 {strides = array<i32>} : memref<16x256xf32, #tpu.memory_space<vmem>>, vector<16x256xf32>,
    return
  }
}

</mosaic_0001>

<sc_bundles>
// kernel: kernel.5.cloned.1.call-start
scs
__scs_entry_jumppad:
0x0: {  	(pc) =	sbr.rel $0x88, $3  }
0x1: {  	(tag) =	ssettag $0x0;
	lr =	simm.s32 $0x1  }
0x2: {  	[smem:$0x3F9A] =	sst lr;
	_ =	strace $0xD0000000  }
0x3: {  	_ = 	snop  }
0x4: {  	_ = 	snop  }
0x5: {  	_ = 	snop  }
0x6: {  	_ = 	snop  }
0x7: {  	_ = 	snop  }
__scs_overlays_trampoline_lowered:
0x8: {  	[smem:$0x3FA9] =	sst s0  }
0x9: {  	[smem:$0x3FAA] =	sst s1  }
0xa: {  	[smem:$0x3FAB] =	sst s2  }
0xb: {  	[smem:$0x3FAC] =	sst s3  }
0xc: {  	[smem:$0x3FAD] =	sst s4  }
0xd: {  	[smem:$0x3FAE] =	sst s5  }
0xe: {  	[smem:$0x3FAF] =	sst s6  }
0xf: {  	[smem:$0x3FB0] =	sst s7  }
0x10: {  	[smem:$0x3FB1] =	sst s8  }
0x11: {  	[smem:$0x3FB2] =	sst s9;
	s0 =	simm.s32 @!p0 $0x0  }
0x12: {  	s1 =	sld [smem:$0x3F98];
	s0 =	simm.s32 @p0 $0x1  }
0x13: {  	[smem:$0x3FB3] =	sst s0;
	s0 =	simm.s32 @!p1 $0x0  }
0x14: {  	s2 =	sld [smem:$0x3F97];
	s0 =	simm.s32 @p1 $0x1  }
0x15: {  	[smem:$0x3FB4] =	sst s0;
	s0 =	simm.s32 @!p2 $0x0  }
0x16: {  	s3 =	sld [smem:$0x3FDB];
	s0 =	simm.s32 @p2 $0x1  }
0x17: {  	s4 =	simm.s32 $0x1BF5;
	[smem:$0x3FB6] =	sst s0  }
0x18: {  	s0 =	sld [smem:$0x3F99];
	_ =	swait.ge [sflag:s4], $0x0  }
0x19: {  	s7 =	sld [smem:$0x3F9A]  }
0x1a: {  	s8 =	sadd.s32 $0xFFFFE003, lr  }
0x1b: {  	s9 =	sadd.s32 $0xFFFFFEF7, lr;
	s5 =	simm.s32 $0xFFFFFFFF;
	p2 =	slt.u32 s8, $0xFFFFF086  }
0x1c: {  	p1 =	slt.u32 s9, $0xF7A;
	s5 =	simm.s32 @!p2 $0x0  }
0x1d: {  	s5 =	simm.s32 @p1 $0x1;
	p0 =	seq.s32 s7, s2  }
0x1e: {  	s7 =	smul.u32 @!p0 $0xF7A, s2;
	p2 =	seq.s32 @!p0 s5, $0x0  }
0x1f: {  	s9 =	smul.u32 $0xF7A, s1;
	s8 =	simm.s32 @!p0 $0x1BF5;
	p2 =	por !p2, p0  }
0x20: {  	[sflag:s8] =	ssyncset.s32 @!p0 $0xFFFFF086;
	s6 =	sadd.s32 @!p0 s3, s7;
	s7 =	simm.s32 @!p0 $0x108  }
0x21: {  	s3 =	sadd.s32 s3, s9;
	s6 =	sadd.s32 @!p0 $0x88, s6;
	s7 =	simm.s32 @p2 $0x1082  }
0x22: {  	[simem:s7], [sflag:s8] =	dma.local @!p0 [hbm:s6], $0xF7A  }
0x23: {  	s9 =	sor.u32 $0xD0000000, s2;
	s6 =	simm.s32 $0x108;
	_ =	swait.ge @!p0 [sflag:s8], $0x0  }
0x24: {  	s3 =	sadd.s32 $0x88, s3;
	s6 =	simm.s32 @!p1 $0x1082;
	[sflag:s4] =	ssyncset.s32 $0xFFFFF086  }
0x25: {  	[simem:s6], [sflag:s4] =	dma.local [hbm:s3], $0xF7A  }
0x26: {  	[smem:$0x3F9A] =	sst s1;
	(tag) =	ssettag s2;
	_ =	strace s9  }
0x27: {  	s1 =	sld [smem:$0x3FAA]  }
0x28: {  	s2 =	sld [smem:$0x3FAB]  }
0x29: {  	s4 =	sld [smem:$0x3FAD]  }
0x2a: {  	p0 =	seq.s32 s5, $0x0;
	s5 =	sld [smem:$0x3FAE]  }
0x2b: {  	s6 =	sld [smem:$0x3FAF]  }
0x2c: {  	s7 =	sld [smem:$0x3FB0]  }
0x2d: {  	s3 =	simm.s32 $0x108;
	s8 =	sld [smem:$0x3FB1]  }
0x2e: {  	s3 =	simm.s32 @!p0 $0x1082;
	s9 =	sld [smem:$0x3FB2]  }
0x2f: {  	lr =	sadd.s32 s0, s3;
	s0 =	sld [smem:$0x3FA9]  }
0x30: {  	s3 =	sld [smem:$0x3FAC]  }
0x31: {  	[smem:$0x3FB5] =	sst s10  }
0x32: {  	s10 =	sld [smem:$0x3FB3];
	_ =	sdelay $0x3  }
0x33: {  	p0 =	seq.s32 s10, $0x1;
	s10 =	sld [smem:$0x3FB5];
	_ =	sdelay $0x3  }
0x34: {  	[smem:$0x3FB5] =	sst s10  }
0x35: {  	s10 =	sld [smem:$0x3FB4];
	_ =	sdelay $0x3  }
0x36: {  	p1 =	seq.s32 s10, $0x1;
	s10 =	sld [smem:$0x3FB5];
	_ =	sdelay $0x3  }
0x37: {  	[smem:$0x3FB5] =	sst s10  }
0x38: {  	s10 =	sld [smem:$0x3FB6]  }
0x39: {  	_ = 	snop;
	(pc) =	sbr.ind lr, $3  }
0x3a: {  	_ = 	snop  }
0x3b: {  	_ = 	snop  }
0x3c: {  	p2 =	seq.s32 s10, $0x1;
	s10 =	sld [smem:$0x3FB5]  }
0x3d: {  	_ =	shalt  }
0x3e: {  	_ =	shalt  }
0x3f: {  	_ =	shalt  }
0x40: {  	_ =	shalt  }
0x41: {  	_ =	shalt  }
0x42: {  	_ =	shalt  }
0x43: {  	_ =	shalt  }
0x44: {  	_ =	shalt  }
0x45: {  	_ =	shalt  }
0x46: {  	_ =	shalt  }
0x47: {  	_ =	shalt  }
0x48: {  	_ =	shalt  }
0x49: {  	_ =	shalt  }
0x4a: {  	_ =	shalt  }
0x4b: {  	_ =	shalt  }
0x4c: {  	_ =	shalt  }
0x4d: {  	_ =	shalt  }
0x4e: {  	_ =	shalt  }
0x4f: {  	_ =	shalt  }
0x50: {  	_ =	shalt  }
0x51: {  	_ =	shalt  }
0x52: {  	_ =	shalt  }
0x53: {  	_ =	shalt  }
0x54: {  	_ =	shalt  }
0x55: {  	_ =	shalt  }
0x56: {  	_ =	shalt  }
0x57: {  	_ =	shalt  }
0x58: {  	_ =	shalt  }
0x59: {  	_ =	shalt  }
0x5a: {  	_ =	shalt  }
0x5b: {  	_ =	shalt  }
0x5c: {  	_ =	shalt  }
0x5d: {  	_ =	shalt  }
0x5e: {  	_ =	shalt  }
0x5f: {  	_ =	shalt  }
0x60: {  	_ =	shalt  }
0x61: {  	_ =	shalt  }
0x62: {  	_ =	shalt  }
0x63: {  	_ =	shalt  }
0x64: {  	_ =	shalt  }
0x65: {  	_ =	shalt  }
0x66: {  	_ =	shalt  }
0x67: {  	_ =	shalt  }
0x68: {  	_ =	shalt  }
0x69: {  	_ =	shalt  }
0x6a: {  	_ =	shalt  }
0x6b: {  	_ =	shalt  }
0x6c: {  	_ =	shalt  }
0x6d: {  	_ =	shalt  }
0x6e: {  	_ =	shalt  }
0x6f: {  	_ =	shalt  }
0x70: {  	_ =	shalt  }
0x71: {  	_ =	shalt  }
0x72: {  	_ =	shalt  }
0x73: {  	_ =	shalt  }
0x74: {  	_ =	shalt  }
0x75: {  	_ =	shalt  }
0x76: {  	_ =	shalt  }
0x77: {  	_ =	shalt  }
0x78: {  	_ =	shalt  }
0x79: {  	_ =	shalt  }
0x7a: {  	_ =	shalt  }
0x7b: {  	_ =	shalt  }
0x7c: {  	_ =	shalt  }
0x7d: {  	_ =	shalt  }
0x7e: {  	_ =	shalt  }
0x7f: {  	_ =	shalt  }
0x80: {  	_ =	shalt  }
0x81: {  	_ =	shalt  }
0x82: {  	_ =	shalt  }
0x83: {  	_ =	shalt  }
0x84: {  	_ =	shalt  }
0x85: {  	_ =	shalt  }
0x86: {  	_ =	shalt  }
0x87: {  	_ =	shalt  }
.Lfunc_end0:
.L_simem_size_0:
called_computation_lowered:
.L_overlay_start_0:
0x88: {  	s2 =	sld [smem:$0x3FD9]  }
0x89: {  	s3 =	sld [smem:$0x3FFE];
	_ =	sdelay $0x1  }
0x8a: {  	s1 =	srdreg.scid  }
0x8b: {  	s0 =	sand.u32 $0x1, s1  }
0x8c: {  	s17 =	sshll.u32 s0, $0xA;
	s2 =	sadd.s32 s3, s2  }
0x8d: {  	s2 =	sadd.s32 s2, s17  }
0x8e: {  	[smem:$0x3FC1] =	sst s2  }
0x8f: {  	_ = 	snop  }
0x90: {  	s2 =	sld [smem:$0x3FC8];
	(tm) =	ssettm $0x1  }
0x91: {  	s18 =	sld [smem:$0x3FFB];
	_ =	sdelay $0x3  }
0x92: {  	_ =	strace s18  }
0x93: {  	s3 =	sld [smem:$0x3FFC];
	_ =	sdelay $0x3  }
0x94: {  	_ =	strace s3  }
0x95: {  	s3 =	sld [smem:$0x3FFD];
	_ =	sdelay $0x3  }
0x96: {  	_ =	strace s3  }
0x97: {  	_ =	strace $0x8FFFFFFF  }
0x98: {  	s19 =	sld [smem:$0x3FDB];
	_ =	sdelay $0x1  }
0x99: {  	s4 =	simm.s32 $_scs_section_size  }
0x9a: {  	s5 =	simm.s32 $_size__tile_overlayer_lowered;
	s6 =	simm.s32 $_tile_overlayer_lowered  }
0x9b: {  	s22 =	simm.s32 $0x1BFF;
	s21 =	sshll.u32 s6, $0x1;
	s3 =	sadd.s32 s4, s19  }
0x9c: {  	s7 =	simm.s32 $0x0;
	s20 =	sshll.u32 s5, $0x1;
	s5 =	sadd.s32 s21, s3  }
0x9d: {  	[timem:s7], [sflag:s22] =	dma.local [hbm:s5], s20  }
0x9e: {  	_ =	swait.ge [sflag:s22], s20  }
0x9f: {  	s4 =	ssub.s32 $0x0, s20;
	[sflag:s22] =	ssyncset.done $0x0  }
0xa0: {  	[sflag:s22] =	ssyncadd.s32 s4;
	_ =	sdelay $0x1  }
0xa1: {  	s23 =	simm.s32 $0x1B8B  }
0xa2: {  	_ =	swait.ge [sflag:s23], $0x1  }
0xa3: {  	[sflag:s23] =	ssyncset.done $0x0  }
0xa4: {  	s25 =	simm.s32 $0x1B8E;
	s24 =	sld [smem:$0x3FFE];
	[sflag:s23] =	ssyncadd.s32 $0xFFFFFFFF  }
0xa5: {  	s26 =	simm.s32 $execute0_lowered;
	[smem:$0x3FD2] =	sst s25  }
0xa6: {  	s5 =	sshll.u32 s26, $0x1;
	_ =	strace $0x80000046;
	[dreg:$0x1] =	wrdreg $0xFFFFFFFF  }
0xa7: {  	s28 =	simm.s32 $_size_execute0_lowered;
	s3 =	sadd.s32 s3, s5;
	[dreg:$0x0] =	wrdreg $0x0  }
0xa8: {  	s5 =	sshll.u32 s28, $0x1;
	[dreg:$0x2] =	wrdreg s3  }
0xa9: {  	[dreg:$0x3] =	wrdreg s5  }
0xaa: {  	[dreg:$0x4] =	wrdreg $0xC0  }
0xab: {  	_ =	task [dreg:s7], $0x5FFFF  }
0xac: {  	[dreg:$0x1] =	wrdreg $0xFFFFFFFF  }
0xad: {  	[dreg:$0x0] =	wrdreg $0x60  }
0xae: {  	[dreg:$0x2] =	wrdreg s24  }
0xaf: {  	[dreg:$0x3] =	wrdreg s2  }
0xb0: {  	[dreg:$0x4] =	wrdreg $0x9  }
0xb1: {  	_ =	task.clear_ibuf [dreg:s7], $0x5FFFF;
	_ =	strace $0x90000046  }
0xb2: {  	s29 =	simm.s32 $0x9;
	_ =	strace $0x80000048  }
0xb3: {  	_ =	swait.ge [sflag:s29], $0x1  }
0xb4: {  	[sflag:s29] =	ssyncadd.s32 $0xFFFFFFFF  }
0xb5: {  	_ =	strace $0x90000048  }
0xb6: {  	_ =	sfence  }
0xb7: {  	s30 =	sld [smem:$0x0];
	_ =	sdelay $0x2  }
0xb8: {  	s31 =	sshll.u32 s1, $0xD;
	s1 =	sshrl.u32 s1, $0x2  }
0xb9: {  	s3 =	sand.u32 $0x4000, s31;
	s1 =	sadd.s32 s1, s30  }
0xba: {  	s0 =	sor.u32 s3, s0;
	s1 =	sshll.u32 s1, $0x11  }
0xbb: {  	s0 =	sor.u32 s1, s0  }
0xbc: {  	s0 =	sadd.s32 $0x8F2B, s0  }
0xbd: {  	[sflag:s0] =	ssyncadd.remote.s32 $0x1  }
0xbe: {  	_ =	sfence.sel $0xFFFF  }
0xbf: {  	[dreg:$0x0] =	wrdreg $0xFFFFFFFF;
	(pc) =	sbr.abs _section_cstart, $3  }
0xc0: {  	[dreg:$0x1] =	wrdreg $0xFFFFFFFF  }
0xc1: {  	_ =	task.clear_ibuf [dreg:s7], $0x2FFFF;
	_ =	strace $0x9FFFFFFF  }
0xc2: {  	(tm) =	ssettm $0x7FFFFFFF  }
0xc3: {  	_ =	shalt  }
tec
execute0_lowered:
.L_overlay_start_1:
0x0: {  	(tag) =	ssettag $0x1  }
0x1: {  	s5 =	rddreg [dreg:$0x0];
	s1 =	srdreg.scid  }
0x2: {  	s0 =	stileid.u32;
	s6 =	rddreg [dreg:$0x1];
	s13 =	simm.s32 $0x400  }
0x3: {  	s14 =	simm.s32 $0x0;
	s7 =	sand.u32 $0x1, s1;
	s2 =	sshll.u32 s0, $0x1  }
0x4: {  	s1 =	rddreg [dreg:$0x2];
	s3 =	sshrl.u32 s0, $0x2;
	p1 =	sgt.u32 s0, $0x1  }
0x5: {  	s9 =	sor.u32 s7, s2;
	s2 =	simm.s32 $0x0;
	s4 =	smul.u32 $0x13C00, s3  }
0x6: {  	s3 =	sadd.s32 $0x1E00, s5;
	s7 =	ssub.s32 $0x2, s7;
	s30 =	sshll.u32 s9, $0x7  }
0x7: {  	[smem:$0x7FF] =	sst s2;
	s10 =	sshrl.u32 s7, $0x1;
	s11 =	smul.u32 $0x9C0, s9  }
0x8: {  	s12 =	sshll.u32 s9, $0x5;
	p0 =	sne.s32 s9, $0x0;
	s8 =	sand.u32 $0x380, s30  }
0x9: {  	s9 =	simm.s32 $0x1;
	_ =	strace $0x80000047;
	s8 =	sor.u32 s4, s8  }
0xa: {  	s10 =	ssub.s32 s7, s10;
	s31 =	sadd.s32 s12, s6;
	s8 =	sshrl.u32 s8, $0x3  }
0xb: {  	s12 =	simm.s32 $0x80;
	s4 =	sadd.s32 $0x2400, s5;
	s8 =	sadd.s32 s8, s5  }
0xc: {  	s5 =	sadd.s32 s6, s11;
	s6 =	sadd.s32 $0x13800, s31;
	s11 =	simm.s32 $0x7700  }
0xd: {  	v0 =	vimm.f32 $0.0e+00;
	s7 =	sadd.s32 $0x2A00, s8;
	s8 =	smax.u32 s10, $0x1;
	s10 =	simm.s32 $0x2800  }
.LBB2_1:
0xe: {  	[tilespmem:s2], [sflag:$0x1] =	stream.linear.gather [hbm4b:s3+s2], $0x2800, $0x38;
	[tilespmem:$0x9E80] =	vst v63  }
0xf: {  	_ =	swait.ge [sflag:s9], $0x2800  }
0x10: {  	[sflag:s9] =	ssyncset.done $0x0  }
.Ltmp0:
0x11: {  	[sflag:s9] =	ssyncadd.s32 $0xFFFFD800;
	(pc) =	sbr.rel @!p0 .LBB2_9-.Ltmp0, $4  }
0x12: {  	[tilespmem:s10], [sflag:$0x1] =	stream.linear.gather [hbm4b:s5+s2], $0x4E00, $0x38;
	[tilespmem:$0x9E80] =	vst v63  }
0x13: {  	_ =	swait.ge [sflag:s9], $0x4E00  }
0x14: {  	[sflag:s9] =	ssyncset.done $0x0  }
0x15: {  	[sflag:s9] =	ssyncadd.s32 $0xFFFFB200  }
0x16: {  	s15 =	simm.s32 $0x7780  }
0x17: {  	[tilespmem:s15+$0xFFFFFF80] =	vst v0  }
0x18: {  	[tilespmem:s15+$0x70] =	vst v0  }
0x19: {  	[tilespmem:s15+$0x60] =	vst v0  }
0x1a: {  	[tilespmem:s15+$0x50] =	vst v0  }
0x1b: {  	[tilespmem:s15+$0x40] =	vst v0  }
0x1c: {  	[tilespmem:s15+$0x30] =	vst v0  }
0x1d: {  	[tilespmem:s15+$0x20] =	vst v0  }
0x1e: {  	[tilespmem:s15+$0x10] =	vst v0  }
0x1f: {  	[tilespmem:s15+$0x0] =	vst v0  }
0x20: {  	[tilespmem:s15+$0xFFFFFFF0] =	vst v0  }
0x21: {  	[tilespmem:s15+$0xFFFFFFE0] =	vst v0  }
0x22: {  	[tilespmem:s15+$0xFFFFFFD0] =	vst v0  }
0x23: {  	[tilespmem:s15+$0xFFFFFFC0] =	vst v0  }
0x24: {  	[tilespmem:s15+$0xFFFFFFB0] =	vst v0  }
0x25: {  	s16 =	simm.s32 $0x0;
	[tilespmem:s15+$0xFFFFFFA0] =	vst v0  }
.LBB2_3:
0x26: {  	s16 =	sadd.s32 $0x10, s16;
	[tilespmem:s15+$0xFFFFFF90] =	vst v0;
	s15 =	sadd.s32 $0x100, s15  }
0x27: {  	[tilespmem:s15+$0xFFFFFF80] =	vst v0;
	p2 =	slt.u32 s16, $0x260  }
0x28: {  	[tilespmem:s15+$0x70] =	vst v0  }
0x29: {  	[tilespmem:s15+$0x60] =	vst v0  }
0x2a: {  	[tilespmem:s15+$0x50] =	vst v0  }
0x2b: {  	[tilespmem:s15+$0x40] =	vst v0  }
0x2c: {  	[tilespmem:s15+$0x30] =	vst v0  }
0x2d: {  	[tilespmem:s15+$0x20] =	vst v0  }
0x2e: {  	[tilespmem:s15+$0x10] =	vst v0  }
0x2f: {  	[tilespmem:s15+$0x0] =	vst v0  }
0x30: {  	[tilespmem:s15+$0xFFFFFFF0] =	vst v0  }
.Ltmp1:
0x31: {  	[tilespmem:s15+$0xFFFFFFE0] =	vst v0;
	(pc) =	sbr.rel @p2 .LBB2_3-.Ltmp1, $4  }
0x32: {  	[tilespmem:s15+$0xFFFFFFD0] =	vst v0  }
0x33: {  	[tilespmem:s15+$0xFFFFFFC0] =	vst v0  }
0x34: {  	[tilespmem:s15+$0xFFFFFFB0] =	vst v0  }
0x35: {  	[tilespmem:s15+$0xFFFFFFA0] =	vst v0  }
.Ltmp2:
0x36: {  	(pc) =	sbr.rel .LBB2_5-.Ltmp2, $3  }
0x37: {  	_ =	sdelay $0x1  }
0x38: {  	[tilespmem:s15+$0xFFFFFF90] =	vst v0  }
0x39: {  	[tilespmem:$0x9E00] =	vst v0  }
.LBB2_9:
0x3a: {  	[tilespmem:s11], [sflag:$0x1] =	stream.linear.gather [hbm4b:s4+s2], $0x2710, $0x38;
	[tilespmem:$0x9E80] =	vst v63  }
0x3b: {  	_ =	swait.ge [sflag:s9], $0x2710  }
0x3c: {  	[sflag:s9] =	ssyncset.done $0x0  }
0x3d: {  	[sflag:s9] =	ssyncadd.s32 $0xFFFFD8F0  }
.LBB2_5:
0x3e: {  	s15 =	simm.s32 @!p1 $0x0;
	s16 =	simm.s32 @!p1 $0x7600  }
0x3f: {  	[tilespmem:s16], [sflag:$0x1] =	stream.linear.gather @!p1 [hbm4b:s6+s15], $0x100, $0x38;
	[tilespmem:$0x9E80] =	vst v63  }
0x40: {  	s15 =	simm.s32 @!p1 $0x1  }
0x41: {  	_ =	swait.ge @!p1 [sflag:s15], $0x100  }
0x42: {  	[sflag:s15] =	ssyncset.done @!p1 $0x0  }
0x43: {  	[sflag:s15] =	ssyncadd.s32 @!p1 $0xFFFFFF00;
	s15 =	simm.s32 $0x2900  }
0x44: {  	v1 =	vld [tilespmem:s15+$0xFFFFFFE0]  }
0x45: {  	v2 =	vld [tilespmem:s15+$0xFFFFFFD0]  }
0x46: {  	v3 =	vld [tilespmem:s15+$0xFFFFFFB0]  }
0x47: {  	v4 =	vld [tilespmem:s15+$0xFFFFFF90]  }
0x48: {  	v5 =	vld [tilespmem:s15+$0xFFFFFFF0]  }
0x49: {  	v6 =	vld [tilespmem:s15+$0xFFFFFFA0]  }
0x4a: {  	v7 =	vld [tilespmem:s15+$0xFFFFFF50]  }
0x4b: {  	v8 =	vld [tilespmem:s15+$0x80]  }
0x4c: {  	v15 =	vld [tilespmem:s15+$0x90]  }
0x4d: {  	v16 =	vld [tilespmem:s15+$0xFFFFFFC0]  }
0x4e: {  	v14 =	vld [tilespmem:s15+$0xC0]  }
0x4f: {  	v12 =	vld [tilespmem:s15+$0xB0]  }
0x50: {  	v9 =	vld [tilespmem:s15+$0x40]  }
0x51: {  	v10 =	vld [tilespmem:s15+$0x50]  }
0x52: {  	v11 =	vld [tilespmem:s15+$0xF0]  }
0x53: {  	v13 =	vld [tilespmem:s15+$0xFFFFFF80]  }
0x54: {  	v17 =	vld [tilespmem:s15+$0xFFFFFF00]  }
0x55: {  	v18 =	vld [tilespmem:s15+$0x70]  }
0x56: {  	v19 =	vld [tilespmem:s15+$0xA0]  }
0x57: {  	v20 =	vld [tilespmem:s15+$0xE0]  }
0x58: {  	v21 =	vld [tilespmem:s15+$0xFFFFFF40]  }
0x59: {  	v22 =	vld [tilespmem:s15+$0xFFFFFF30]  }
0x5a: {  	v23 =	vld [tilespmem:s15+$0xFFFFFF20]  }
0x5b: {  	v24 =	vld [tilespmem:s15+$0xFFFFFF10]  }
0x5c: {  	v25 =	vld [tilespmem:s15+$0xD0]  }
0x5d: {  	v27 =	vld [tilespmem:s15+$0x60]  }
0x5e: {  	v26 =	vld [tilespmem:s15+$0xFFFFFF60]  }
0x5f: {  	v62 =	vld [tilespmem:s15+$0x10]  }
0x60: {  	v63 =	vld [tilespmem:s15+$0x0]  }
0x61: {  	v28 =	vld [tilespmem:s15+$0xFFFFFF70]  }
0x62: {  	v17 =	vld.idx.msk [tilespmem:v17+s2+$0x0], $0xffff  }
0x63: {  	v18 =	vld.idx.msk [tilespmem:v18+s2+$0x0], $0xffff  }
0x64: {  	v21 =	vld.idx.msk [tilespmem:v21+s2+$0x0], $0xffff  }
0x65: {  	v27 =	vld.idx.msk [tilespmem:v27+s2+$0x0], $0xffff  }
0x66: {  	v29 =	vld.idx.msk [tilespmem:v10+s2+$0x0], $0xffff  }
0x67: {  	v30 =	vld.idx.msk [tilespmem:v9+s2+$0x0], $0xffff  }
0x68: {  	[tilespmem:v13+s11+$0x0] =	vst.idx.add.f32.msk $0xffff, v17  }
0x69: {  	[tilespmem:v11+s11+$0x0] =	vst.idx.add.f32.msk $0xffff, v18  }
0x6a: {  	v11 =	vld [tilespmem:s15+$0x30]  }
0x6b: {  	v13 =	vld [tilespmem:s15+$0x20]  }
0x6c: {  	v10 =	vld.idx.msk [tilespmem:v63+s2+$0x0], $0xffff  }
0x6d: {  	v9 =	vld.idx.msk [tilespmem:v26+s2+$0x0], $0xffff  }
0x6e: {  	v17 =	vld.idx.msk [tilespmem:v62+s2+$0x0], $0xffff  }
0x6f: {  	[tilespmem:v20+s11+$0x0] =	vst.idx.add.f32.msk $0xffff, v27  }
0x70: {  	[tilespmem:v25+s11+$0x0] =	vst.idx.add.f32.msk $0xffff, v29  }
0x71: {  	[tilespmem:v14+s11+$0x0] =	vst.idx.add.f32.msk $0xffff, v30  }
0x72: {  	v31 =	vld.idx.msk [tilespmem:v11+s2+$0x0], $0xffff  }
0x73: {  	v11 =	vld.idx.msk [tilespmem:v13+s2+$0x0], $0xffff  }
0x74: {  	v14 =	vld.idx.msk [tilespmem:v24+s2+$0x0], $0xffff  }
0x75: {  	[tilespmem:v16+s11+$0x0] =	vst.idx.add.f32.msk $0xffff, v21  }
0x76: {  	[tilespmem:v15+s11+$0x0] =	vst.idx.add.f32.msk $0xffff, v17  }
0x77: {  	v13 =	vld.idx.msk [tilespmem:v23+s2+$0x0], $0xffff  }
0x78: {  	[tilespmem:v19+s11+$0x0] =	vst.idx.add.f32.msk $0xffff, v11  }
0x79: {  	v11 =	vld.idx.msk [tilespmem:v28+s2+$0x0], $0xffff  }
0x7a: {  	[tilespmem:v12+s11+$0x0] =	vst.idx.add.f32.msk $0xffff, v31  }
0x7b: {  	s16 =	simm.s32 $0x0;
	v12 =	vld.idx.msk [tilespmem:v22+s2+$0x0], $0xffff  }
.LBB2_6:
0x7c: {  	s16 =	sadd.s32 $0x10, s16;
	[tilespmem:v8+s11+$0x0] =	vst.idx.add.f32.msk $0xffff, v10;
	s15 =	sadd.s32 $0x200, s15  }
0x7d: {  	p2 =	slt.u32 s16, $0x260;
	v7 =	vld.idx.msk [tilespmem:v7+s2+$0x0], $0xffff  }
0x7e: {  	[tilespmem:v6+s11+$0x0] =	vst.idx.add.f32.msk $0xffff, v13  }
0x7f: {  	[tilespmem:v5+s11+$0x0] =	vst.idx.add.f32.msk $0xffff, v11  }
0x80: {  	[tilespmem:v4+s11+$0x0] =	vst.idx.add.f32.msk $0xffff, v14  }
0x81: {  	[tilespmem:v3+s11+$0x0] =	vst.idx.add.f32.msk $0xffff, v12  }
0x82: {  	[tilespmem:v1+s11+$0x0] =	vst.idx.add.f32.msk $0xffff, v9  }
0x83: {  	[tilespmem:v2+s11+$0x0] =	vst.idx.add.f32.msk $0xffff, v7  }
0x84: {  	v1 =	vld [tilespmem:s15+$0xFFFFFFE0]  }
0x85: {  	v2 =	vld [tilespmem:s15+$0xFFFFFFD0]  }
0x86: {  	v3 =	vld [tilespmem:s15+$0xFFFFFFB0]  }
0x87: {  	v4 =	vld [tilespmem:s15+$0xFFFFFF90]  }
0x88: {  	v5 =	vld [tilespmem:s15+$0xFFFFFFF0]  }
0x89: {  	v6 =	vld [tilespmem:s15+$0xFFFFFFA0]  }
0x8a: {  	v7 =	vld [tilespmem:s15+$0xFFFFFF50]  }
0x8b: {  	v8 =	vld [tilespmem:s15+$0x80]  }
0x8c: {  	v15 =	vld [tilespmem:s15+$0x90]  }
0x8d: {  	v16 =	vld [tilespmem:s15+$0xFFFFFFC0]  }
0x8e: {  	v14 =	vld [tilespmem:s15+$0xC0]  }
0x8f: {  	v12 =	vld [tilespmem:s15+$0xB0]  }
0x90: {  	v9 =	vld [tilespmem:s15+$0x40]  }
0x91: {  	v10 =	vld [tilespmem:s15+$0x50]  }
0x92: {  	v11 =	vld [tilespmem:s15+$0xF0]  }
0x93: {  	v13 =	vld [tilespmem:s15+$0xFFFFFF80]  }
0x94: {  	v17 =	vld [tilespmem:s15+$0xFFFFFF00]  }
0x95: {  	v18 =	vld [tilespmem:s15+$0x70]  }
0x96: {  	v19 =	vld [tilespmem:s15+$0xA0]  }
0x97: {  	v20 =	vld [tilespmem:s15+$0xE0]  }
0x98: {  	v21 =	vld [tilespmem:s15+$0xFFFFFF40]  }
0x99: {  	v22 =	vld [tilespmem:s15+$0xFFFFFF30]  }
0x9a: {  	v23 =	vld [tilespmem:s15+$0xFFFFFF20]  }
0x9b: {  	v24 =	vld [tilespmem:s15+$0xFFFFFF10]  }
0x9c: {  	v17 =	vld.idx.msk [tilespmem:v17+s2+$0x0], $0xffff  }
0x9d: {  	v18 =	vld.idx.msk [tilespmem:v18+s2+$0x0], $0xffff  }
0x9e: {  	v25 =	vld [tilespmem:s15+$0xD0]  }
0x9f: {  	v26 =	vld [tilespmem:s15+$0xFFFFFF60]  }
0xa0: {  	v21 =	vld.idx.msk [tilespmem:v21+s2+$0x0], $0xffff  }
0xa1: {  	v27 =	vld [tilespmem:s15+$0x60]  }
0xa2: {  	[tilespmem:v13+s11+$0x0] =	vst.idx.add.f32.msk $0xffff, v17  }
0xa3: {  	[tilespmem:v11+s11+$0x0] =	vst.idx.add.f32.msk $0xffff, v18  }
0xa4: {  	v11 =	vld [tilespmem:s15+$0x30]  }
0xa5: {  	v13 =	vld [tilespmem:s15+$0x20]  }
0xa6: {  	v17 =	vld [tilespmem:s15+$0x10]  }
0xa7: {  	v18 =	vld [tilespmem:s15+$0x0]  }
0xa8: {  	v28 =	vld [tilespmem:s15+$0xFFFFFF70]  }
0xa9: {  	v27 =	vld.idx.msk [tilespmem:v27+s2+$0x0], $0xffff  }
0xaa: {  	v29 =	vld.idx.msk [tilespmem:v10+s2+$0x0], $0xffff  }
0xab: {  	v30 =	vld.idx.msk [tilespmem:v9+s2+$0x0], $0xffff  }
0xac: {  	v31 =	vld.idx.msk [tilespmem:v11+s2+$0x0], $0xffff  }
0xad: {  	v11 =	vld.idx.msk [tilespmem:v13+s2+$0x0], $0xffff  }
0xae: {  	v17 =	vld.idx.msk [tilespmem:v17+s2+$0x0], $0xffff  }
0xaf: {  	[tilespmem:v20+s11+$0x0] =	vst.idx.add.f32.msk $0xffff, v27  }
0xb0: {  	v10 =	vld.idx.msk [tilespmem:v18+s2+$0x0], $0xffff  }
0xb1: {  	[tilespmem:v25+s11+$0x0] =	vst.idx.add.f32.msk $0xffff, v29  }
0xb2: {  	v9 =	vld.idx.msk [tilespmem:v26+s2+$0x0], $0xffff  }
0xb3: {  	[tilespmem:v19+s11+$0x0] =	vst.idx.add.f32.msk $0xffff, v11  }
0xb4: {  	v11 =	vld.idx.msk [tilespmem:v28+s2+$0x0], $0xffff  }
0xb5: {  	[tilespmem:v12+s11+$0x0] =	vst.idx.add.f32.msk $0xffff, v31  }
0xb6: {  	v12 =	vld.idx.msk [tilespmem:v22+s2+$0x0], $0xffff  }
.Ltmp3:
0xb7: {  	v13 =	vld.idx.msk [tilespmem:v23+s2+$0x0], $0xffff;
	(pc) =	sbr.rel @p2 .LBB2_6-.Ltmp3, $4  }
0xb8: {  	[tilespmem:v14+s11+$0x0] =	vst.idx.add.f32.msk $0xffff, v30  }
0xb9: {  	v14 =	vld.idx.msk [tilespmem:v24+s2+$0x0], $0xffff  }
0xba: {  	[tilespmem:v16+s11+$0x0] =	vst.idx.add.f32.msk $0xffff, v21  }
0xbb: {  	[tilespmem:v15+s11+$0x0] =	vst.idx.add.f32.msk $0xffff, v17  }
0xbc: {  	_ =	sdelay $0x3  }
0xbd: {  	[tilespmem:v8+s11+$0x0] =	vst.idx.add.f32.msk $0xffff, v10  }
0xbe: {  	v7 =	vld.idx.msk [tilespmem:v7+s2+$0x0], $0xffff  }
0xbf: {  	[tilespmem:v6+s11+$0x0] =	vst.idx.add.f32.msk $0xffff, v13  }
0xc0: {  	[tilespmem:v5+s11+$0x0] =	vst.idx.add.f32.msk $0xffff, v11  }
0xc1: {  	[tilespmem:v3+s11+$0x0] =	vst.idx.add.f32.msk $0xffff, v12  }
0xc2: {  	[tilespmem:v1+s11+$0x0] =	vst.idx.add.f32.msk $0xffff, v9  }
0xc3: {  	[tilespmem:v4+s11+$0x0] =	vst.idx.add.f32.msk $0xffff, v14  }
0xc4: {  	[tilespmem:v2+s11+$0x0] =	vst.idx.add.f32.msk $0xffff, v7  }
0xc5: {  	v1 =	vld @!p1 [tilespmem:$0x7600]  }
0xc6: {  	v2 =	vld @!p1 [tilespmem:$0x7610];
	_ =	sdelay $0x1  }
0xc7: {  	v3 =	vld @!p1 [tilespmem:$0x7620];
	_ =	sdelay $0x1  }
0xc8: {  	v4 =	vld @!p1 [tilespmem:$0x7680]  }
0xc9: {  	v5 =	vld @!p1 [tilespmem:$0x7690]  }
0xca: {  	s15 =	simm.s32 @!p1 $0x0;
	v6 =	vld @!p1 [tilespmem:$0x76A0]  }
0xcb: {  	v1 =	vld.idx.msk @!p1 [tilespmem:v1+s15+$0x0], $0xffff  }
0xcc: {  	v2 =	vld.idx.msk @!p1 [tilespmem:v2+s15+$0x0], $0xffff  }
0xcd: {  	v7 =	vld @!p1 [tilespmem:$0x7630]  }
0xce: {  	v3 =	vld.idx.msk @!p1 [tilespmem:v3+s15+$0x0], $0xffff  }
0xcf: {  	s16 =	simm.s32 @!p1 $0x7700;
	v8 =	vld @!p1 [tilespmem:$0x76D0]  }
0xd0: {  	[tilespmem:v4+s16+$0x0] =	vst.idx.add.f32.msk @!p1 $0xffff, v1  }
0xd1: {  	[tilespmem:v5+s16+$0x0] =	vst.idx.add.f32.msk @!p1 $0xffff, v2  }
0xd2: {  	v1 =	vld @!p1 [tilespmem:$0x7640]  }
0xd3: {  	[tilespmem:v6+s16+$0x0] =	vst.idx.add.f32.msk @!p1 $0xffff, v3  }
0xd4: {  	v2 =	vld @!p1 [tilespmem:$0x76B0]  }
0xd5: {  	v4 =	vld @!p1 [tilespmem:$0x7650]  }
0xd6: {  	v5 =	vld @!p1 [tilespmem:$0x7660]  }
0xd7: {  	v6 =	vld @!p1 [tilespmem:$0x7670]  }
0xd8: {  	v3 =	vld.idx.msk @!p1 [tilespmem:v7+s15+$0x0], $0xffff  }
0xd9: {  	v7 =	vld @!p1 [tilespmem:$0x76C0]  }
0xda: {  	v9 =	vld @!p1 [tilespmem:$0x76E0]  }
0xdb: {  	v10 =	vld @!p1 [tilespmem:$0x76F0]  }
0xdc: {  	v1 =	vld.idx.msk @!p1 [tilespmem:v1+s15+$0x0], $0xffff  }
0xdd: {  	v4 =	vld.idx.msk @!p1 [tilespmem:v4+s15+$0x0], $0xffff  }
0xde: {  	v5 =	vld.idx.msk @!p1 [tilespmem:v5+s15+$0x0], $0xffff  }
0xdf: {  	v6 =	vld.idx.msk @!p1 [tilespmem:v6+s15+$0x0], $0xffff  }
0xe0: {  	[tilespmem:v2+s16+$0x0] =	vst.idx.add.f32.msk @!p1 $0xffff, v3  }
0xe1: {  	[tilespmem:v7+s16+$0x0] =	vst.idx.add.f32.msk @!p1 $0xffff, v1  }
0xe2: {  	s14 =	sadd.s32 $0x1, s14;
	[tilespmem:v8+s16+$0x0] =	vst.idx.add.f32.msk @!p1 $0xffff, v4  }
0xe3: {  	p2 =	sne.s32 s14, s8;
	[tilespmem:v9+s16+$0x0] =	vst.idx.add.f32.msk @!p1 $0xffff, v5  }
.Ltmp4:
0xe4: {  	[tilespmem:v10+s16+$0x0] =	vst.idx.add.f32.msk @!p1 $0xffff, v6;
	(pc) =	sbr.rel @p2 .LBB2_1-.Ltmp4, $4  }
0xe5: {  	[hbm4b:s7+s12] =	stream.strided.scatter [tilespmem:s11], [sflag:$0x1], $0x2780, s13, s12, $0x38;
	[tilespmem:$0x9E80] =	vst v63  }
0xe6: {  	_ =	swait.ge [sflag:s9], $0x2780  }
0xe7: {  	[sflag:s9] =	ssyncset.done $0x0  }
0xe8: {  	[sflag:s9] =	ssyncadd.s32 $0xFFFFD880  }
0xe9: {  	_ =	sfence.sel $0x180000  }
0xea: {  	[bflag:$0x0] =	sbarrier.arrive $0xFFFF  }
0xeb: {  	p0 =	sne.s32 s0, $0x0;
	_ =	strace $0x90000047  }
0xec: {  	s0 =	sadd.s32 @!p0 $0x100000, s1;
	[bflag:$0x2] =	sbarrier.arrive $0xFFFF  }
0xed: {  	[sflag:s0] =	ssyncadd.tile.s32 @!p0 $0x1;
	_ =	shalt  }
.Lfunc_end2:
_tile_overlayer_lowered:
.L_overlay_start_2:
0xee: {  	(tag) =	ssettag $0x2  }
0xef: {  	s0 =	rddreg [dreg:$0x0];
	s2 =	stileid.u32  }
0xf0: {  	s1 =	rddreg [dreg:$0x1];
	p0 =	sne.s32 s2, $0x0  }
0xf1: {  	s3 =	rddreg [dreg:$0x2];
	[bflag:$0x3] =	sbarrier.arrive $0xFFFF;
	s2 =	simm.s32 @!p0 $0x1C01  }
0xf2: {  	[timem:s3], [sflag:s2] =	dma.local @!p0 [hbm:s0], s1  }
0xf3: {  	s0 =	simm.s32 @!p0 $0x1  }
0xf4: {  	_ =	swait.ge @!p0 [sflag:s0], s1  }
0xf5: {  	s1 =	ssub.s32 @!p0 $0x0, s1;
	[sflag:s0] =	ssyncset.done @!p0 $0x0  }
0xf6: {  	[sflag:s0] =	ssyncadd.s32 @!p0 s1  }
0xf7: {  	[bflag:$0x3] =	sbarrier.arrive $0xFFFF  }
0xf8: {  	_ =	shalt  }

</sc_bundles>
